<compile_context>
chip_gen: v7x
topology: tpu7x:2x2x1
jax: 0.10.2.dev20260603
libtpu: 0.0.44.dev20260713+nightly
codegen_flags: <defaults>
</compile_context>

<pallas_src>
import functools

import jax
import jax.numpy as jnp
from jax import lax
from jax.experimental import pallas as pl
from jax.experimental.pallas import tpu as pltpu
from jax.experimental.pallas import tpu_sc as plsc

E = 8
T = 4096
D = 768
TILE = 512
NT = T // TILE
S = NT + E - 1



def _sc_permute_rows(table, idx, direction):
    info = plsc.get_sparse_core_info()
    nw = info.num_cores * info.num_subcores
    bpw = T // nw
    mesh = plsc.VectorSubcoreMesh(core_axis_name="c", subcore_axis_name="s")

    @functools.partial(
        pl.kernel,
        mesh=mesh,
        out_type=jax.ShapeDtypeStruct((T, D), jnp.float32),
        scratch_types=[
            pltpu.VMEM((bpw,), jnp.int32),
            pltpu.VMEM((bpw, D), jnp.float32),
            pltpu.SemaphoreType.DMA,
        ],
    )
    def permute_kernel(table_hbm, idx_hbm, out_hbm, idx_v, rows_v, sem):
        wid = lax.axis_index("s") * info.num_cores + lax.axis_index("c")
        base = wid * bpw
        pltpu.sync_copy(idx_hbm.at[pl.ds(base, bpw)], idx_v)
        if direction == "gather":
            pltpu.async_copy(table_hbm.at[idx_v], rows_v, sem).wait()
            pltpu.sync_copy(rows_v, out_hbm.at[pl.ds(base, bpw)])
        else:
            pltpu.sync_copy(table_hbm.at[pl.ds(base, bpw)], rows_v)
            pltpu.async_copy(rows_v, out_hbm.at[idx_v], sem).wait()

    return permute_kernel(table, idx)





def _mm_body(meta_ref, x_ref, w_ref, b_ref, out_ref):
    s = pl.program_id(0)
    t = meta_ref[0, s]
    lo = meta_ref[2, s]
    hi = meta_ref[3, s]
    acc = jnp.dot(
        x_ref[...].astype(jnp.bfloat16),
        w_ref[0].astype(jnp.bfloat16),
        preferred_element_type=jnp.float32,
    )
    grow = t * TILE + lax.broadcasted_iota(jnp.int32, (TILE, 1), 0)
    mask = (grow >= lo) & (grow < hi)
    contrib = jnp.where(mask, acc + b_ref[0], 0.0)

    @pl.when(meta_ref[4, s] == 1)
    def _init():
        out_ref[...] = contrib

    @pl.when(meta_ref[4, s] == 0)
    def _accum():
        out_ref[...] = out_ref[...] + contrib


def _grouped_matmul(x_sorted, W, b, meta):
    grid_spec = pltpu.PrefetchScalarGridSpec(
        num_scalar_prefetch=1,
        grid=(S,),
        in_specs=[
            pl.BlockSpec((TILE, D), lambda s, m: (m[0, s], 0)),
            pl.BlockSpec((1, D, D), lambda s, m: (m[1, s], 0, 0)),
            pl.BlockSpec((1, 1, D), lambda s, m: (m[1, s], 0, 0)),
        ],
        out_specs=pl.BlockSpec((TILE, D), lambda s, m: (m[0, s], 0)),
    )
    return pl.pallas_call(
        _mm_body,
        grid_spec=grid_spec,
        out_shape=jax.ShapeDtypeStruct((T, D), jnp.float32),
    )(meta, x_sorted, W, b.reshape(E, 1, D))



def _meta_body(g_ref, inv_ref, meta_ref):
    gt = g_ref[...]
    rows = lax.broadcasted_iota(jnp.int32, (128, 128), 0)
    cols = lax.broadcasted_iota(jnp.int32, (128, 128), 1)
    tri = (rows >= cols).astype(jnp.float32)
    rc = lax.broadcasted_iota(jnp.int32, (32, 32), 0)
    cc = lax.broadcasted_iota(jnp.int32, (32, 32), 1)
    tric = (rc < cc).astype(jnp.float32)

    inv_acc = jnp.zeros((128, 32), jnp.float32)
    start = []
    count = []
    run = jnp.int32(0)
    for e in range(E):
        oh = (gt == e).astype(jnp.float32)
        cs = jnp.dot(tri, oh, preferred_element_type=jnp.float32)
        cnt = cs[127:128, :]
        pre = jnp.dot(cnt, tric, preferred_element_type=jnp.float32)
        tot = jnp.sum(cnt).astype(jnp.int32)
        start.append(run)
        count.append(tot)
        run = run + tot
        inv_acc = inv_acc + oh * (jnp.float32(1.0) * start[e] + pre + cs - 1.0)
    inv_ref[...] = inv_acc.astype(jnp.int32)

    def schedule(p):
        eid = jnp.zeros((1, 16), jnp.int32)
        cum = jnp.int32(0)
        nvs = []
        for e in range(E):
            s_e, c_e = start[e], count[e]
            ft = lax.div(s_e, jnp.int32(TILE))
            lt = lax.div(s_e + c_e - 1, jnp.int32(TILE))
            nv = jnp.where(c_e > 0, lt - ft + 1, 0)
            nvs.append((ft, nv))
            cum = cum + nv
            if e < E - 1:
                eid = eid + jnp.where(cum <= p, 1, 0)
        tile = jnp.zeros((1, 16), jnp.int32)
        lo = jnp.zeros((1, 16), jnp.int32)
        hi = jnp.zeros((1, 16), jnp.int32)
        vcum = jnp.int32(0)
        for e in range(E):
            ft, nv = nvs[e]
            m = eid == e
            t_e = ft + (p - vcum)
            tile = jnp.where(m, t_e, tile)
            lo = jnp.where(m, jnp.maximum(start[e], t_e * TILE), lo)
            hi = jnp.where(m, jnp.minimum(start[e] + count[e], (t_e + 1) * TILE), hi)
            vcum = vcum + nv
        valid = p < cum
        tile = jnp.where(valid, tile, NT - 1)
        lo = jnp.where(valid, lo, 0)
        hi = jnp.where(valid, hi, 0)
        return eid, tile, lo, hi

    p = lax.broadcasted_iota(jnp.int32, (1, 16), 1)
    eid, tile, lo, hi = schedule(p)
    _, tile_prev, _, _ = schedule(p - 1)
    fresh = ((p == 0) | (tile != tile_prev)).astype(jnp.int32)
    meta_ref[...] = jnp.concatenate([tile, eid, lo, hi, fresh], axis=0)


def _tc_route_metadata(g):
    inv2d, meta = pl.pallas_call(
        _meta_body,
        in_specs=[pl.BlockSpec((128, 32), lambda: (0, 0))],
        out_specs=[
            pl.BlockSpec((128, 32), lambda: (0, 0)),
            pl.BlockSpec((5, 16), lambda: (0, 0)),
        ],
        out_shape=[
            jax.ShapeDtypeStruct((128, 32), jnp.int32),
            jax.ShapeDtypeStruct((5, 16), jnp.int32),
        ],
    )(g.reshape(128, 32))
    return inv2d.reshape(T), meta


def kernel(x, groups, W, b):
    g = groups[:, 0]
    inv_idx, meta = _tc_route_metadata(g)
    x_sorted = _sc_permute_rows(x, inv_idx, "scatter")
    out_sorted = _grouped_matmul(x_sorted, W, b, meta)
    return _sc_permute_rows(out_sorted, inv_idx, "gather")

# --- scband reference (transcript-rebuilt; emitter-appended) ---
"""Pipeline reference for scband-gate-36902359007498 (READ-ONLY COPY).

The authoritative reference and input builder live on the scoring server;
editing this copy changes nothing except your own understanding.
"""

import jax, jax.numpy as jnp
import numpy as np

N_SUBNET = 8
D_MODEL = 768
N_TOKENS = 4096


def setup_inputs(seed: int = 0) -> dict:
    key = jax.random.key(seed)
    k1, k2, k3 = jax.random.split(key, 3)
    # Data inputs: inputs = [x, groups]; groups column 0 holds subnet indices.
    x = jax.random.normal(k1, (N_TOKENS, D_MODEL), dtype=jnp.float32)
    groups = jax.random.randint(k2, (N_TOKENS, 1), 0, N_SUBNET, dtype=jnp.int32)
    # Learned parameters: one Dense(D_MODEL) subnet per group.
    W = jax.random.normal(k3, (N_SUBNET, D_MODEL, D_MODEL), dtype=jnp.float32) * (1.0 / np.sqrt(D_MODEL))
    b = jnp.zeros((N_SUBNET, D_MODEL), dtype=jnp.float32)
    return {"x": x, "groups": groups, "W": W, "b": b}


def reference(x, groups, W, b):
    # Gate._process_groups: groups_subset is an int -> groups are indices.
    # idx_group = tf.gather(groups, groups_subset, axis=-1)
    idx_group = jnp.take(groups, 0, axis=-1)  # shape (T,)
    # gates = tf.one_hot(idx_group, n_subnet, on_value=1.0, off_value=0.0)
    gates = jax.nn.one_hot(idx_group, N_SUBNET, dtype=x.dtype)  # (T, E)
    # Gate semantics (as realized in psiz BraidGate): run every subnet on the
    # full inputs, then blend subnet outputs with the (one-hot) gate weights.
    expert_out = jnp.einsum("td,edf->tef", x, W) + b[None, :, :]  # (T, E, D)
    out = jnp.einsum("te,tef->tf", gates, expert_out)  # (T, D)
    return out

if __name__ == "__main__":
    import jax
    _d = setup_inputs()
    print(jax.jit(kernel)(*tuple(_d.values())))

</pallas_src>

<mosaic_0001>
#map = affine_map<(d0, d1) -> (0, 0)>
#map1 = affine_map<(d0, d1) -> (0)>
module attributes {stable_mosaic.version = 14 : i64} {
  func.func @permute_kernel(%arg0: i32, %arg1: i32, %arg2: memref<4096x768xf32, #tpu.memory_space<hbm>>, %arg3: memref<4096xi32, #tpu.memory_space<hbm>>, %arg4: memref<4096x768xf32, #tpu.memory_space<hbm>>, %arg5: memref<128xi32, #tpu.memory_space<vmem>>, %arg6: memref<128x768xf32, #tpu.memory_space<vmem>>, %arg7: memref<!tpu.dma_semaphore, #tpu.memory_space<semaphore_mem>>) attributes {dimension_semantics = [#tpu.dimension_semantics<core_parallel>, #tpu.dimension_semantics<subcore_parallel>], iteration_bounds = array<i64: 2, 16>, scalar_prefetch = 0 : i64, scratch_operands = 3 : i64, tpu.core_type = #tpu.core_type<sc_vector_subcore>, window_params = [{transform_indices = #map}, {transform_indices = #map1}, {transform_indices = #map}]} {
    %mul3A = arith.constant 2 : i32
    %mul3A_0 = arith.muli %arg1, %mul3A : i32
    %add3A = arith.addi %mul3A_0, %arg0 : i32
    %mul3A_1 = arith.constant 128 : i32
    %mul3A_2 = arith.muli %add3A, %mul3A_1 : i32
    "tpu.region"() ({
      %run_scoped3A = tpu.sem_alloc : memref<!tpu.dma_semaphore, #tpu.memory_space<semaphore_mem>>
      %dma_start3A_7 = tpu.memref_slice %arg3[%mul3A_2] : memref<4096xi32, #tpu.memory_space<hbm>> -> memref<128xi32, #tpu.memory_space<hbm>>
      %dma_start3A_8 = tpu.memref_slice %arg3[%mul3A_2] : memref<4096xi32, #tpu.memory_space<hbm>> -> memref<128xi32, #tpu.memory_space<hbm>>
      tpu.enqueue_dma source(%dma_start3A_8 : memref<128xi32, #tpu.memory_space<hbm>>) target(%arg5 : memref<128xi32, #tpu.memory_space<vmem>>) target_semaphore(%run_scoped3A : memref<!tpu.dma_semaphore, #tpu.memory_space<semaphore_mem>>)
      %dma_wait3A_9 = tpu.memref_slice %arg3[%mul3A_2] : memref<4096xi32, #tpu.memory_space<hbm>> -> memref<128xi32, #tpu.memory_space<hbm>>
      %dma_wait3A_10 = tpu.memref_slice %arg3[%mul3A_2] : memref<4096xi32, #tpu.memory_space<hbm>> -> memref<128xi32, #tpu.memory_space<hbm>>
      tpu.wait_dma2 semaphore(%run_scoped3A : memref<!tpu.dma_semaphore, #tpu.memory_space<semaphore_mem>>) src(%dma_wait3A_10 : memref<128xi32, #tpu.memory_space<hbm>>) dst(%arg5 : memref<128xi32, #tpu.memory_space<vmem>>)
      tpu.yield
    }) : () -> ()
    %dma_start3A = arith.constant 0 : i32
    %dma_start3A_3 = arith.constant 0 : i32
    %dma_start3A_4 = tpu.memref_slice %arg2[%dma_start3A, %dma_start3A_3] : memref<4096x768xf32, #tpu.memory_space<hbm>> -> memref<4096x768xf32, #tpu.memory_space<hbm>>
    tpu.enqueue_indirect_dma source(%dma_start3A_4 : memref<4096x768xf32, #tpu.memory_space<hbm>>) target(%arg6 : memref<128x768xf32, #tpu.memory_space<vmem>>) offsets(%arg5 : memref<128xi32, #tpu.memory_space<vmem>>) semaphore(%arg7 : memref<!tpu.dma_semaphore, #tpu.memory_space<semaphore_mem>>)
    %dma_wait3A = arith.constant 0 : i32
    %dma_wait3A_5 = arith.constant 0 : i32
    %dma_wait3A_6 = tpu.memref_slice %arg2[%dma_wait3A, %dma_wait3A_5] : memref<4096x768xf32, #tpu.memory_space<hbm>> -> memref<4096x768xf32, #tpu.memory_space<hbm>>
    tpu.wait_indirect_dma semaphore(%arg7 : memref<!tpu.dma_semaphore, #tpu.memory_space<semaphore_mem>>) src(%dma_wait3A_6 : memref<4096x768xf32, #tpu.memory_space<hbm>>) dst(%arg6 : memref<128x768xf32, #tpu.memory_space<vmem>>)
    "tpu.region"() ({
      %run_scoped3A = tpu.sem_alloc : memref<!tpu.dma_semaphore, #tpu.memory_space<semaphore_mem>>
      %dma_start3A_7 = arith.constant 0 : i32
      %dma_start3A_8 = tpu.memref_slice %arg4[%mul3A_2, %dma_start3A_7] : memref<4096x768xf32, #tpu.memory_space<hbm>> -> memref<128x768xf32, #tpu.memory_space<hbm>>
      %dma_start3A_9 = arith.constant 0 : i32
      %dma_start3A_10 = tpu.memref_slice %arg4[%mul3A_2, %dma_start3A_9] : memref<4096x768xf32, #tpu.memory_space<hbm>> -> memref<128x768xf32, #tpu.memory_space<hbm>>
      tpu.enqueue_dma source(%arg6 : memref<128x768xf32, #tpu.memory_space<vmem>>) target(%dma_start3A_10 : memref<128x768xf32, #tpu.memory_space<hbm>>) target_semaphore(%run_scoped3A : memref<!tpu.dma_semaphore, #tpu.memory_space<semaphore_mem>>)
      %dma_wait3A_11 = arith.constant 0 : i32
      %dma_wait3A_12 = tpu.memref_slice %arg4[%mul3A_2, %dma_wait3A_11] : memref<4096x768xf32, #tpu.memory_space<hbm>> -> memref<128x768xf32, #tpu.memory_space<hbm>>
      %dma_wait3A_13 = arith.constant 0 : i32
      %dma_wait3A_14 = tpu.memref_slice %arg4[%mul3A_2, %dma_wait3A_13] : memref<4096x768xf32, #tpu.memory_space<hbm>> -> memref<128x768xf32, #tpu.memory_space<hbm>>
      tpu.wait_dma2 semaphore(%run_scoped3A : memref<!tpu.dma_semaphore, #tpu.memory_space<semaphore_mem>>) src(%arg6 : memref<128x768xf32, #tpu.memory_space<vmem>>) dst(%dma_wait3A_14 : memref<128x768xf32, #tpu.memory_space<hbm>>)
      tpu.yield
    }) : () -> ()
    return
  }
}

#map = affine_map<(d0, d1) -> (0, 0)>
#map1 = affine_map<(d0, d1) -> (0)>
module attributes {stable_mosaic.version = 14 : i64} {
  func.func @permute_kernel(%arg0: i32, %arg1: i32, %arg2: memref<4096x768xf32, #tpu.memory_space<hbm>>, %arg3: memref<4096xi32, #tpu.memory_space<hbm>>, %arg4: memref<4096x768xf32, #tpu.memory_space<hbm>>, %arg5: memref<128xi32, #tpu.memory_space<vmem>>, %arg6: memref<128x768xf32, #tpu.memory_space<vmem>>, %arg7: memref<!tpu.dma_semaphore, #tpu.memory_space<semaphore_mem>>) attributes {dimension_semantics = [#tpu.dimension_semantics<core_parallel>, #tpu.dimension_semantics<subcore_parallel>], iteration_bounds = array<i64: 2, 16>, scalar_prefetch = 0 : i64, scratch_operands = 3 : i64, tpu.core_type = #tpu.core_type<sc_vector_subcore>, window_params = [{transform_indices = #map}, {transform_indices = #map1}, {transform_indices = #map}]} {
    %mul3A = arith.constant 2 : i32
    %mul3A_0 = arith.muli %arg1, %mul3A : i32
    %add3A = arith.addi %mul3A_0, %arg0 : i32
    %mul3A_1 = arith.constant 128 : i32
    %mul3A_2 = arith.muli %add3A, %mul3A_1 : i32
    "tpu.region"() ({
      %run_scoped3A = tpu.sem_alloc : memref<!tpu.dma_semaphore, #tpu.memory_space<semaphore_mem>>
      %dma_start3A_7 = tpu.memref_slice %arg3[%mul3A_2] : memref<4096xi32, #tpu.memory_space<hbm>> -> memref<128xi32, #tpu.memory_space<hbm>>
      %dma_start3A_8 = tpu.memref_slice %arg3[%mul3A_2] : memref<4096xi32, #tpu.memory_space<hbm>> -> memref<128xi32, #tpu.memory_space<hbm>>
      tpu.enqueue_dma source(%dma_start3A_8 : memref<128xi32, #tpu.memory_space<hbm>>) target(%arg5 : memref<128xi32, #tpu.memory_space<vmem>>) target_semaphore(%run_scoped3A : memref<!tpu.dma_semaphore, #tpu.memory_space<semaphore_mem>>)
      %dma_wait3A_9 = tpu.memref_slice %arg3[%mul3A_2] : memref<4096xi32, #tpu.memory_space<hbm>> -> memref<128xi32, #tpu.memory_space<hbm>>
      %dma_wait3A_10 = tpu.memref_slice %arg3[%mul3A_2] : memref<4096xi32, #tpu.memory_space<hbm>> -> memref<128xi32, #tpu.memory_space<hbm>>
      tpu.wait_dma2 semaphore(%run_scoped3A : memref<!tpu.dma_semaphore, #tpu.memory_space<semaphore_mem>>) src(%dma_wait3A_10 : memref<128xi32, #tpu.memory_space<hbm>>) dst(%arg5 : memref<128xi32, #tpu.memory_space<vmem>>)
      tpu.yield
    }) : () -> ()
    "tpu.region"() ({
      %run_scoped3A = tpu.sem_alloc : memref<!tpu.dma_semaphore, #tpu.memory_space<semaphore_mem>>
      %dma_start3A_7 = arith.constant 0 : i32
      %dma_start3A_8 = tpu.memref_slice %arg2[%mul3A_2, %dma_start3A_7] : memref<4096x768xf32, #tpu.memory_space<hbm>> -> memref<128x768xf32, #tpu.memory_space<hbm>>
      %dma_start3A_9 = arith.constant 0 : i32
      %dma_start3A_10 = tpu.memref_slice %arg2[%mul3A_2, %dma_start3A_9] : memref<4096x768xf32, #tpu.memory_space<hbm>> -> memref<128x768xf32, #tpu.memory_space<hbm>>
      tpu.enqueue_dma source(%dma_start3A_10 : memref<128x768xf32, #tpu.memory_space<hbm>>) target(%arg6 : memref<128x768xf32, #tpu.memory_space<vmem>>) target_semaphore(%run_scoped3A : memref<!tpu.dma_semaphore, #tpu.memory_space<semaphore_mem>>)
      %dma_wait3A_11 = arith.constant 0 : i32
      %dma_wait3A_12 = tpu.memref_slice %arg2[%mul3A_2, %dma_wait3A_11] : memref<4096x768xf32, #tpu.memory_space<hbm>> -> memref<128x768xf32, #tpu.memory_space<hbm>>
      %dma_wait3A_13 = arith.constant 0 : i32
      %dma_wait3A_14 = tpu.memref_slice %arg2[%mul3A_2, %dma_wait3A_13] : memref<4096x768xf32, #tpu.memory_space<hbm>> -> memref<128x768xf32, #tpu.memory_space<hbm>>
      tpu.wait_dma2 semaphore(%run_scoped3A : memref<!tpu.dma_semaphore, #tpu.memory_space<semaphore_mem>>) src(%dma_wait3A_14 : memref<128x768xf32, #tpu.memory_space<hbm>>) dst(%arg6 : memref<128x768xf32, #tpu.memory_space<vmem>>)
      tpu.yield
    }) : () -> ()
    %dma_start3A = arith.constant 0 : i32
    %dma_start3A_3 = arith.constant 0 : i32
    %dma_start3A_4 = tpu.memref_slice %arg4[%dma_start3A, %dma_start3A_3] : memref<4096x768xf32, #tpu.memory_space<hbm>> -> memref<4096x768xf32, #tpu.memory_space<hbm>>
    tpu.enqueue_indirect_dma source(%arg6 : memref<128x768xf32, #tpu.memory_space<vmem>>) target(%dma_start3A_4 : memref<4096x768xf32, #tpu.memory_space<hbm>>) offsets(%arg5 : memref<128xi32, #tpu.memory_space<vmem>>) semaphore(%arg7 : memref<!tpu.dma_semaphore, #tpu.memory_space<semaphore_mem>>)
    %dma_wait3A = arith.constant 0 : i32
    %dma_wait3A_5 = arith.constant 0 : i32
    %dma_wait3A_6 = tpu.memref_slice %arg4[%dma_wait3A, %dma_wait3A_5] : memref<4096x768xf32, #tpu.memory_space<hbm>> -> memref<4096x768xf32, #tpu.memory_space<hbm>>
    tpu.wait_indirect_dma semaphore(%arg7 : memref<!tpu.dma_semaphore, #tpu.memory_space<semaphore_mem>>) src(%arg6 : memref<128x768xf32, #tpu.memory_space<vmem>>) dst(%dma_wait3A_6 : memref<4096x768xf32, #tpu.memory_space<hbm>>)
    return
  }
}

module attributes {stable_mosaic.version = 14 : i64} {
  func.func @_meta_body(%arg0: memref<128x32xi32, #tpu.memory_space<vmem>>, %arg1: memref<128x32xi32, #tpu.memory_space<vmem>>, %arg2: memref<5x16xi32, #tpu.memory_space<vmem>>) attributes {dimension_semantics = [], scalar_prefetch = 0 : i64, scratch_operands = 0 : i64, tpu.core_type = #tpu.core_type<tc>} {
    %get3A = arith.constant 0 : index
    %get3A_0 = arith.constant 0 : index
    %get3A_1 = vector.load %arg0[%get3A, %get3A_0] : memref<128x32xi32, #tpu.memory_space<vmem>>, vector<128x32xi32>
    %iota3A = tpu.iota {dimensions = array<i32: 0>} : vector<128x128xi32>
    %iota3A_2 = tpu.iota {dimensions = array<i32: 1>} : vector<128x128xi32>
    %ge3A = arith.cmpi sge, %iota3A, %iota3A_2 : vector<128x128xi32>
    %convert_element_type3A = arith.extui %ge3A : vector<128x128xi1> to vector<128x128xi32>
    %convert_element_type3A_3 = arith.sitofp %convert_element_type3A : vector<128x128xi32> to vector<128x128xf32>
    %iota3A_4 = tpu.iota {dimensions = array<i32: 0>} : vector<32x32xi32>
    %iota3A_5 = tpu.iota {dimensions = array<i32: 1>} : vector<32x32xi32>
    %lt3A = arith.cmpi slt, %iota3A_4, %iota3A_5 : vector<32x32xi32>
    %convert_element_type3A_6 = arith.extui %lt3A : vector<32x32xi1> to vector<32x32xi32>
    %convert_element_type3A_7 = arith.sitofp %convert_element_type3A_6 : vector<32x32xi32> to vector<32x32xf32>
    %broadcast_in_dim3A = arith.constant 0.000000e+00 : f32
    %broadcast_in_dim3A_8 = vector.broadcast %broadcast_in_dim3A : f32 to vector<128x32xf32>
    %eq3A = arith.constant 0 : i32
    %eq3A_9 = vector.broadcast %eq3A : i32 to vector<128x32xi32>
    %eq3A_10 = arith.cmpi eq, %get3A_1, %eq3A_9 : vector<128x32xi32>
    %convert_element_type3A_11 = arith.extui %eq3A_10 : vector<128x32xi1> to vector<128x32xi32>
    %convert_element_type3A_12 = arith.sitofp %convert_element_type3A_11 : vector<128x32xi32> to vector<128x32xf32>
    %dot_general3A = arith.constant dense<0.000000e+00> : vector<128x32xf32>
    %dot_general3A_13 = tpu.matmul %convert_element_type3A_3, %convert_element_type3A_12, %dot_general3A {dimension_numbers = #tpu.dot_dimension_numbers<[1], [0], [0], [1], [0, 0, 1, 1], [], []>, transpose_lhs_hint = false} : vector<128x128xf32>, vector<128x32xf32>, vector<128x32xf32> -> vector<128x32xf32>
    %slice3A = vector.extract_strided_slice %dot_general3A_13 {offsets = [127, 0], sizes = [1, 32], strides = [1, 1]} : vector<128x32xf32> to vector<1x32xf32>
    %dot_general3A_14 = arith.constant dense<0.000000e+00> : vector<1x32xf32>
    %dot_general3A_15 = tpu.matmul %slice3A, %convert_element_type3A_7, %dot_general3A_14 {dimension_numbers = #tpu.dot_dimension_numbers<[1], [0], [0], [1], [0, 0, 1, 1], [], []>, transpose_lhs_hint = false} : vector<1x32xf32>, vector<32x32xf32>, vector<1x32xf32> -> vector<1x32xf32>
    %reduce_sum3A = vector.shape_cast %slice3A : vector<1x32xf32> to vector<1x1x32xf32>
    %reduce_sum3A_16 = arith.constant dense<0.000000e+00> : vector<1xf32>
    %reduce_sum3A_17 = vector.multi_reduction <add>, %reduce_sum3A, %reduce_sum3A_16 [1, 2] : vector<1x1x32xf32> to vector<1xf32>
    %reduce_sum3A_18 = vector.shape_cast %reduce_sum3A_17 : vector<1xf32> to vector<1x1x1xf32>
    %reduce_sum3A_19 = vector.extract %reduce_sum3A_18[0, 0, 0] : f32 from vector<1x1x1xf32>
    %convert_element_type3A_20 = arith.fptosi %reduce_sum3A_19 : f32 to i32
    %add3A = arith.constant 0 : i32
    %add3A_21 = arith.addi %add3A, %convert_element_type3A_20 : i32
    %mul3A = arith.constant 1.000000e+00 : f32
    %mul3A_22 = arith.constant 0.000000e+00 : f32
    %mul3A_23 = arith.mulf %mul3A, %mul3A_22 : f32
    %add3A_24 = vector.broadcast %mul3A_23 : f32 to vector<1x32xf32>
    %add3A_25 = arith.addf %add3A_24, %dot_general3A_15 : vector<1x32xf32>
    %add3A_26 = vector.broadcast %add3A_25 : vector<1x32xf32> to vector<128x32xf32>
    %add3A_27 = arith.addf %add3A_26, %dot_general3A_13 : vector<128x32xf32>
    %sub3A = arith.constant 1.000000e+00 : f32
    %sub3A_28 = vector.broadcast %sub3A : f32 to vector<128x32xf32>
    %sub3A_29 = arith.subf %add3A_27, %sub3A_28 : vector<128x32xf32>
    %mul3A_30 = arith.mulf %convert_element_type3A_12, %sub3A_29 : vector<128x32xf32>
    %add3A_31 = arith.addf %broadcast_in_dim3A_8, %mul3A_30 : vector<128x32xf32>
    %eq3A_32 = arith.constant 1 : i32
    %eq3A_33 = vector.broadcast %eq3A_32 : i32 to vector<128x32xi32>
    %eq3A_34 = arith.cmpi eq, %get3A_1, %eq3A_33 : vector<128x32xi32>
    %convert_element_type3A_35 = arith.extui %eq3A_34 : vector<128x32xi1> to vector<128x32xi32>
    %convert_element_type3A_36 = arith.sitofp %convert_element_type3A_35 : vector<128x32xi32> to vector<128x32xf32>
    %dot_general3A_37 = arith.constant dense<0.000000e+00> : vector<128x32xf32>
    %dot_general3A_38 = tpu.matmul %convert_element_type3A_3, %convert_element_type3A_36, %dot_general3A_37 {dimension_numbers = #tpu.dot_dimension_numbers<[1], [0], [0], [1], [0, 0, 1, 1], [], []>, transpose_lhs_hint = false} : vector<128x128xf32>, vector<128x32xf32>, vector<128x32xf32> -> vector<128x32xf32>
    %slice3A_39 = vector.extract_strided_slice %dot_general3A_38 {offsets = [127, 0], sizes = [1, 32], strides = [1, 1]} : vector<128x32xf32> to vector<1x32xf32>
    %dot_general3A_40 = arith.constant dense<0.000000e+00> : vector<1x32xf32>
    %dot_general3A_41 = tpu.matmul %slice3A_39, %convert_element_type3A_7, %dot_general3A_40 {dimension_numbers = #tpu.dot_dimension_numbers<[1], [0], [0], [1], [0, 0, 1, 1], [], []>, transpose_lhs_hint = false} : vector<1x32xf32>, vector<32x32xf32>, vector<1x32xf32> -> vector<1x32xf32>
    %reduce_sum3A_42 = vector.shape_cast %slice3A_39 : vector<1x32xf32> to vector<1x1x32xf32>
    %reduce_sum3A_43 = arith.constant dense<0.000000e+00> : vector<1xf32>
    %reduce_sum3A_44 = vector.multi_reduction <add>, %reduce_sum3A_42, %reduce_sum3A_43 [1, 2] : vector<1x1x32xf32> to vector<1xf32>
    %reduce_sum3A_45 = vector.shape_cast %reduce_sum3A_44 : vector<1xf32> to vector<1x1x1xf32>
    %reduce_sum3A_46 = vector.extract %reduce_sum3A_45[0, 0, 0] : f32 from vector<1x1x1xf32>
    %convert_element_type3A_47 = arith.fptosi %reduce_sum3A_46 : f32 to i32
    %add3A_48 = arith.addi %add3A_21, %convert_element_type3A_47 : i32
    %convert_element_type3A_49 = arith.sitofp %add3A_21 : i32 to f32
    %mul3A_50 = arith.constant 1.000000e+00 : f32
    %mul3A_51 = arith.mulf %mul3A_50, %convert_element_type3A_49 : f32
    %add3A_52 = vector.broadcast %mul3A_51 : f32 to vector<1x32xf32>
    %add3A_53 = arith.addf %add3A_52, %dot_general3A_41 : vector<1x32xf32>
    %add3A_54 = vector.broadcast %add3A_53 : vector<1x32xf32> to vector<128x32xf32>
    %add3A_55 = arith.addf %add3A_54, %dot_general3A_38 : vector<128x32xf32>
    %sub3A_56 = arith.constant 1.000000e+00 : f32
    %sub3A_57 = vector.broadcast %sub3A_56 : f32 to vector<128x32xf32>
    %sub3A_58 = arith.subf %add3A_55, %sub3A_57 : vector<128x32xf32>
    %mul3A_59 = arith.mulf %convert_element_type3A_36, %sub3A_58 : vector<128x32xf32>
    %add3A_60 = arith.addf %add3A_31, %mul3A_59 : vector<128x32xf32>
    %eq3A_61 = arith.constant 2 : i32
    %eq3A_62 = vector.broadcast %eq3A_61 : i32 to vector<128x32xi32>
    %eq3A_63 = arith.cmpi eq, %get3A_1, %eq3A_62 : vector<128x32xi32>
    %convert_element_type3A_64 = arith.extui %eq3A_63 : vector<128x32xi1> to vector<128x32xi32>
    %convert_element_type3A_65 = arith.sitofp %convert_element_type3A_64 : vector<128x32xi32> to vector<128x32xf32>
    %dot_general3A_66 = arith.constant dense<0.000000e+00> : vector<128x32xf32>
    %dot_general3A_67 = tpu.matmul %convert_element_type3A_3, %convert_element_type3A_65, %dot_general3A_66 {dimension_numbers = #tpu.dot_dimension_numbers<[1], [0], [0], [1], [0, 0, 1, 1], [], []>, transpose_lhs_hint = false} : vector<128x128xf32>, vector<128x32xf32>, vector<128x32xf32> -> vector<128x32xf32>
    %slice3A_68 = vector.extract_strided_slice %dot_general3A_67 {offsets = [127, 0], sizes = [1, 32], strides = [1, 1]} : vector<128x32xf32> to vector<1x32xf32>
    %dot_general3A_69 = arith.constant dense<0.000000e+00> : vector<1x32xf32>
    %dot_general3A_70 = tpu.matmul %slice3A_68, %convert_element_type3A_7, %dot_general3A_69 {dimension_numbers = #tpu.dot_dimension_numbers<[1], [0], [0], [1], [0, 0, 1, 1], [], []>, transpose_lhs_hint = false} : vector<1x32xf32>, vector<32x32xf32>, vector<1x32xf32> -> vector<1x32xf32>
    %reduce_sum3A_71 = vector.shape_cast %slice3A_68 : vector<1x32xf32> to vector<1x1x32xf32>
    %reduce_sum3A_72 = arith.constant dense<0.000000e+00> : vector<1xf32>
    %reduce_sum3A_73 = vector.multi_reduction <add>, %reduce_sum3A_71, %reduce_sum3A_72 [1, 2] : vector<1x1x32xf32> to vector<1xf32>
    %reduce_sum3A_74 = vector.shape_cast %reduce_sum3A_73 : vector<1xf32> to vector<1x1x1xf32>
    %reduce_sum3A_75 = vector.extract %reduce_sum3A_74[0, 0, 0] : f32 from vector<1x1x1xf32>
    %convert_element_type3A_76 = arith.fptosi %reduce_sum3A_75 : f32 to i32
    %add3A_77 = arith.addi %add3A_48, %convert_element_type3A_76 : i32
    %convert_element_type3A_78 = arith.sitofp %add3A_48 : i32 to f32
    %mul3A_79 = arith.constant 1.000000e+00 : f32
    %mul3A_80 = arith.mulf %mul3A_79, %convert_element_type3A_78 : f32
    %add3A_81 = vector.broadcast %mul3A_80 : f32 to vector<1x32xf32>
    %add3A_82 = arith.addf %add3A_81, %dot_general3A_70 : vector<1x32xf32>
    %add3A_83 = vector.broadcast %add3A_82 : vector<1x32xf32> to vector<128x32xf32>
    %add3A_84 = arith.addf %add3A_83, %dot_general3A_67 : vector<128x32xf32>
    %sub3A_85 = arith.constant 1.000000e+00 : f32
    %sub3A_86 = vector.broadcast %sub3A_85 : f32 to vector<128x32xf32>
    %sub3A_87 = arith.subf %add3A_84, %sub3A_86 : vector<128x32xf32>
    %mul3A_88 = arith.mulf %convert_element_type3A_65, %sub3A_87 : vector<128x32xf32>
    %add3A_89 = arith.addf %add3A_60, %mul3A_88 : vector<128x32xf32>
    %eq3A_90 = arith.constant 3 : i32
    %eq3A_91 = vector.broadcast %eq3A_90 : i32 to vector<128x32xi32>
    %eq3A_92 = arith.cmpi eq, %get3A_1, %eq3A_91 : vector<128x32xi32>
    %convert_element_type3A_93 = arith.extui %eq3A_92 : vector<128x32xi1> to vector<128x32xi32>
    %convert_element_type3A_94 = arith.sitofp %convert_element_type3A_93 : vector<128x32xi32> to vector<128x32xf32>
    %dot_general3A_95 = arith.constant dense<0.000000e+00> : vector<128x32xf32>
    %dot_general3A_96 = tpu.matmul %convert_element_type3A_3, %convert_element_type3A_94, %dot_general3A_95 {dimension_numbers = #tpu.dot_dimension_numbers<[1], [0], [0], [1], [0, 0, 1, 1], [], []>, transpose_lhs_hint = false} : vector<128x128xf32>, vector<128x32xf32>, vector<128x32xf32> -> vector<128x32xf32>
    %slice3A_97 = vector.extract_strided_slice %dot_general3A_96 {offsets = [127, 0], sizes = [1, 32], strides = [1, 1]} : vector<128x32xf32> to vector<1x32xf32>
    %dot_general3A_98 = arith.constant dense<0.000000e+00> : vector<1x32xf32>
    %dot_general3A_99 = tpu.matmul %slice3A_97, %convert_element_type3A_7, %dot_general3A_98 {dimension_numbers = #tpu.dot_dimension_numbers<[1], [0], [0], [1], [0, 0, 1, 1], [], []>, transpose_lhs_hint = false} : vector<1x32xf32>, vector<32x32xf32>, vector<1x32xf32> -> vector<1x32xf32>
    %reduce_sum3A_100 = vector.shape_cast %slice3A_97 : vector<1x32xf32> to vector<1x1x32xf32>
    %reduce_sum3A_101 = arith.constant dense<0.000000e+00> : vector<1xf32>
    %reduce_sum3A_102 = vector.multi_reduction <add>, %reduce_sum3A_100, %reduce_sum3A_101 [1, 2] : vector<1x1x32xf32> to vector<1xf32>
    %reduce_sum3A_103 = vector.shape_cast %reduce_sum3A_102 : vector<1xf32> to vector<1x1x1xf32>
    %reduce_sum3A_104 = vector.extract %reduce_sum3A_103[0, 0, 0] : f32 from vector<1x1x1xf32>
    %convert_element_type3A_105 = arith.fptosi %reduce_sum3A_104 : f32 to i32
    %add3A_106 = arith.addi %add3A_77, %convert_element_type3A_105 : i32
    %convert_element_type3A_107 = arith.sitofp %add3A_77 : i32 to f32
    %mul3A_108 = arith.constant 1.000000e+00 : f32
    %mul3A_109 = arith.mulf %mul3A_108, %convert_element_type3A_107 : f32
    %add3A_110 = vector.broadcast %mul3A_109 : f32 to vector<1x32xf32>
    %add3A_111 = arith.addf %add3A_110, %dot_general3A_99 : vector<1x32xf32>
    %add3A_112 = vector.broadcast %add3A_111 : vector<1x32xf32> to vector<128x32xf32>
    %add3A_113 = arith.addf %add3A_112, %dot_general3A_96 : vector<128x32xf32>
    %sub3A_114 = arith.constant 1.000000e+00 : f32
    %sub3A_115 = vector.broadcast %sub3A_114 : f32 to vector<128x32xf32>
    %sub3A_116 = arith.subf %add3A_113, %sub3A_115 : vector<128x32xf32>
    %mul3A_117 = arith.mulf %convert_element_type3A_94, %sub3A_116 : vector<128x32xf32>
    %add3A_118 = arith.addf %add3A_89, %mul3A_117 : vector<128x32xf32>
    %eq3A_119 = arith.constant 4 : i32
    %eq3A_120 = vector.broadcast %eq3A_119 : i32 to vector<128x32xi32>
    %eq3A_121 = arith.cmpi eq, %get3A_1, %eq3A_120 : vector<128x32xi32>
    %convert_element_type3A_122 = arith.extui %eq3A_121 : vector<128x32xi1> to vector<128x32xi32>
    %convert_element_type3A_123 = arith.sitofp %convert_element_type3A_122 : vector<128x32xi32> to vector<128x32xf32>
    %dot_general3A_124 = arith.constant dense<0.000000e+00> : vector<128x32xf32>
    %dot_general3A_125 = tpu.matmul %convert_element_type3A_3, %convert_element_type3A_123, %dot_general3A_124 {dimension_numbers = #tpu.dot_dimension_numbers<[1], [0], [0], [1], [0, 0, 1, 1], [], []>, transpose_lhs_hint = false} : vector<128x128xf32>, vector<128x32xf32>, vector<128x32xf32> -> vector<128x32xf32>
    %slice3A_126 = vector.extract_strided_slice %dot_general3A_125 {offsets = [127, 0], sizes = [1, 32], strides = [1, 1]} : vector<128x32xf32> to vector<1x32xf32>
    %dot_general3A_127 = arith.constant dense<0.000000e+00> : vector<1x32xf32>
    %dot_general3A_128 = tpu.matmul %slice3A_126, %convert_element_type3A_7, %dot_general3A_127 {dimension_numbers = #tpu.dot_dimension_numbers<[1], [0], [0], [1], [0, 0, 1, 1], [], []>, transpose_lhs_hint = false} : vector<1x32xf32>, vector<32x32xf32>, vector<1x32xf32> -> vector<1x32xf32>
    %reduce_sum3A_129 = vector.shape_cast %slice3A_126 : vector<1x32xf32> to vector<1x1x32xf32>
    %reduce_sum3A_130 = arith.constant dense<0.000000e+00> : vector<1xf32>
    %reduce_sum3A_131 = vector.multi_reduction <add>, %reduce_sum3A_129, %reduce_sum3A_130 [1, 2] : vector<1x1x32xf32> to vector<1xf32>
    %reduce_sum3A_132 = vector.shape_cast %reduce_sum3A_131 : vector<1xf32> to vector<1x1x1xf32>
    %reduce_sum3A_133 = vector.extract %reduce_sum3A_132[0, 0, 0] : f32 from vector<1x1x1xf32>
    %convert_element_type3A_134 = arith.fptosi %reduce_sum3A_133 : f32 to i32
    %add3A_135 = arith.addi %add3A_106, %convert_element_type3A_134 : i32
    %convert_element_type3A_136 = arith.sitofp %add3A_106 : i32 to f32
    %mul3A_137 = arith.constant 1.000000e+00 : f32
    %mul3A_138 = arith.mulf %mul3A_137, %convert_element_type3A_136 : f32
    %add3A_139 = vector.broadcast %mul3A_138 : f32 to vector<1x32xf32>
    %add3A_140 = arith.addf %add3A_139, %dot_general3A_128 : vector<1x32xf32>
    %add3A_141 = vector.broadcast %add3A_140 : vector<1x32xf32> to vector<128x32xf32>
    %add3A_142 = arith.addf %add3A_141, %dot_general3A_125 : vector<128x32xf32>
    %sub3A_143 = arith.constant 1.000000e+00 : f32
    %sub3A_144 = vector.broadcast %sub3A_143 : f32 to vector<128x32xf32>
    %sub3A_145 = arith.subf %add3A_142, %sub3A_144 : vector<128x32xf32>
    %mul3A_146 = arith.mulf %convert_element_type3A_123, %sub3A_145 : vector<128x32xf32>
    %add3A_147 = arith.addf %add3A_118, %mul3A_146 : vector<128x32xf32>
    %eq3A_148 = arith.constant 5 : i32
    %eq3A_149 = vector.broadcast %eq3A_148 : i32 to vector<128x32xi32>
    %eq3A_150 = arith.cmpi eq, %get3A_1, %eq3A_149 : vector<128x32xi32>
    %convert_element_type3A_151 = arith.extui %eq3A_150 : vector<128x32xi1> to vector<128x32xi32>
    %convert_element_type3A_152 = arith.sitofp %convert_element_type3A_151 : vector<128x32xi32> to vector<128x32xf32>
    %dot_general3A_153 = arith.constant dense<0.000000e+00> : vector<128x32xf32>
    %dot_general3A_154 = tpu.matmul %convert_element_type3A_3, %convert_element_type3A_152, %dot_general3A_153 {dimension_numbers = #tpu.dot_dimension_numbers<[1], [0], [0], [1], [0, 0, 1, 1], [], []>, transpose_lhs_hint = false} : vector<128x128xf32>, vector<128x32xf32>, vector<128x32xf32> -> vector<128x32xf32>
    %slice3A_155 = vector.extract_strided_slice %dot_general3A_154 {offsets = [127, 0], sizes = [1, 32], strides = [1, 1]} : vector<128x32xf32> to vector<1x32xf32>
    %dot_general3A_156 = arith.constant dense<0.000000e+00> : vector<1x32xf32>
    %dot_general3A_157 = tpu.matmul %slice3A_155, %convert_element_type3A_7, %dot_general3A_156 {dimension_numbers = #tpu.dot_dimension_numbers<[1], [0], [0], [1], [0, 0, 1, 1], [], []>, transpose_lhs_hint = false} : vector<1x32xf32>, vector<32x32xf32>, vector<1x32xf32> -> vector<1x32xf32>
    %reduce_sum3A_158 = vector.shape_cast %slice3A_155 : vector<1x32xf32> to vector<1x1x32xf32>
    %reduce_sum3A_159 = arith.constant dense<0.000000e+00> : vector<1xf32>
    %reduce_sum3A_160 = vector.multi_reduction <add>, %reduce_sum3A_158, %reduce_sum3A_159 [1, 2] : vector<1x1x32xf32> to vector<1xf32>
    %reduce_sum3A_161 = vector.shape_cast %reduce_sum3A_160 : vector<1xf32> to vector<1x1x1xf32>
    %reduce_sum3A_162 = vector.extract %reduce_sum3A_161[0, 0, 0] : f32 from vector<1x1x1xf32>
    %convert_element_type3A_163 = arith.fptosi %reduce_sum3A_162 : f32 to i32
    %add3A_164 = arith.addi %add3A_135, %convert_element_type3A_163 : i32
    %convert_element_type3A_165 = arith.sitofp %add3A_135 : i32 to f32
    %mul3A_166 = arith.constant 1.000000e+00 : f32
    %mul3A_167 = arith.mulf %mul3A_166, %convert_element_type3A_165 : f32
    %add3A_168 = vector.broadcast %mul3A_167 : f32 to vector<1x32xf32>
    %add3A_169 = arith.addf %add3A_168, %dot_general3A_157 : vector<1x32xf32>
    %add3A_170 = vector.broadcast %add3A_169 : vector<1x32xf32> to vector<128x32xf32>
    %add3A_171 = arith.addf %add3A_170, %dot_general3A_154 : vector<128x32xf32>
    %sub3A_172 = arith.constant 1.000000e+00 : f32
    %sub3A_173 = vector.broadcast %sub3A_172 : f32 to vector<128x32xf32>
    %sub3A_174 = arith.subf %add3A_171, %sub3A_173 : vector<128x32xf32>
    %mul3A_175 = arith.mulf %convert_element_type3A_152, %sub3A_174 : vector<128x32xf32>
    %add3A_176 = arith.addf %add3A_147, %mul3A_175 : vector<128x32xf32>
    %eq3A_177 = arith.constant 6 : i32
    %eq3A_178 = vector.broadcast %eq3A_177 : i32 to vector<128x32xi32>
    %eq3A_179 = arith.cmpi eq, %get3A_1, %eq3A_178 : vector<128x32xi32>
    %convert_element_type3A_180 = arith.extui %eq3A_179 : vector<128x32xi1> to vector<128x32xi32>
    %convert_element_type3A_181 = arith.sitofp %convert_element_type3A_180 : vector<128x32xi32> to vector<128x32xf32>
    %dot_general3A_182 = arith.constant dense<0.000000e+00> : vector<128x32xf32>
    %dot_general3A_183 = tpu.matmul %convert_element_type3A_3, %convert_element_type3A_181, %dot_general3A_182 {dimension_numbers = #tpu.dot_dimension_numbers<[1], [0], [0], [1], [0, 0, 1, 1], [], []>, transpose_lhs_hint = false} : vector<128x128xf32>, vector<128x32xf32>, vector<128x32xf32> -> vector<128x32xf32>
    %slice3A_184 = vector.extract_strided_slice %dot_general3A_183 {offsets = [127, 0], sizes = [1, 32], strides = [1, 1]} : vector<128x32xf32> to vector<1x32xf32>
    %dot_general3A_185 = arith.constant dense<0.000000e+00> : vector<1x32xf32>
    %dot_general3A_186 = tpu.matmul %slice3A_184, %convert_element_type3A_7, %dot_general3A_185 {dimension_numbers = #tpu.dot_dimension_numbers<[1], [0], [0], [1], [0, 0, 1, 1], [], []>, transpose_lhs_hint = false} : vector<1x32xf32>, vector<32x32xf32>, vector<1x32xf32> -> vector<1x32xf32>
    %reduce_sum3A_187 = vector.shape_cast %slice3A_184 : vector<1x32xf32> to vector<1x1x32xf32>
    %reduce_sum3A_188 = arith.constant dense<0.000000e+00> : vector<1xf32>
    %reduce_sum3A_189 = vector.multi_reduction <add>, %reduce_sum3A_187, %reduce_sum3A_188 [1, 2] : vector<1x1x32xf32> to vector<1xf32>
    %reduce_sum3A_190 = vector.shape_cast %reduce_sum3A_189 : vector<1xf32> to vector<1x1x1xf32>
    %reduce_sum3A_191 = vector.extract %reduce_sum3A_190[0, 0, 0] : f32 from vector<1x1x1xf32>
    %convert_element_type3A_192 = arith.fptosi %reduce_sum3A_191 : f32 to i32
    %add3A_193 = arith.addi %add3A_164, %convert_element_type3A_192 : i32
    %convert_element_type3A_194 = arith.sitofp %add3A_164 : i32 to f32
    %mul3A_195 = arith.constant 1.000000e+00 : f32
    %mul3A_196 = arith.mulf %mul3A_195, %convert_element_type3A_194 : f32
    %add3A_197 = vector.broadcast %mul3A_196 : f32 to vector<1x32xf32>
    %add3A_198 = arith.addf %add3A_197, %dot_general3A_186 : vector<1x32xf32>
    %add3A_199 = vector.broadcast %add3A_198 : vector<1x32xf32> to vector<128x32xf32>
    %add3A_200 = arith.addf %add3A_199, %dot_general3A_183 : vector<128x32xf32>
    %sub3A_201 = arith.constant 1.000000e+00 : f32
    %sub3A_202 = vector.broadcast %sub3A_201 : f32 to vector<128x32xf32>
    %sub3A_203 = arith.subf %add3A_200, %sub3A_202 : vector<128x32xf32>
    %mul3A_204 = arith.mulf %convert_element_type3A_181, %sub3A_203 : vector<128x32xf32>
    %add3A_205 = arith.addf %add3A_176, %mul3A_204 : vector<128x32xf32>
    %eq3A_206 = arith.constant 7 : i32
    %eq3A_207 = vector.broadcast %eq3A_206 : i32 to vector<128x32xi32>
    %eq3A_208 = arith.cmpi eq, %get3A_1, %eq3A_207 : vector<128x32xi32>
    %convert_element_type3A_209 = arith.extui %eq3A_208 : vector<128x32xi1> to vector<128x32xi32>
    %convert_element_type3A_210 = arith.sitofp %convert_element_type3A_209 : vector<128x32xi32> to vector<128x32xf32>
    %dot_general3A_211 = arith.constant dense<0.000000e+00> : vector<128x32xf32>
    %dot_general3A_212 = tpu.matmul %convert_element_type3A_3, %convert_element_type3A_210, %dot_general3A_211 {dimension_numbers = #tpu.dot_dimension_numbers<[1], [0], [0], [1], [0, 0, 1, 1], [], []>, transpose_lhs_hint = false} : vector<128x128xf32>, vector<128x32xf32>, vector<128x32xf32> -> vector<128x32xf32>
    %slice3A_213 = vector.extract_strided_slice %dot_general3A_212 {offsets = [127, 0], sizes = [1, 32], strides = [1, 1]} : vector<128x32xf32> to vector<1x32xf32>
    %dot_general3A_214 = arith.constant dense<0.000000e+00> : vector<1x32xf32>
    %dot_general3A_215 = tpu.matmul %slice3A_213, %convert_element_type3A_7, %dot_general3A_214 {dimension_numbers = #tpu.dot_dimension_numbers<[1], [0], [0], [1], [0, 0, 1, 1], [], []>, transpose_lhs_hint = false} : vector<1x32xf32>, vector<32x32xf32>, vector<1x32xf32> -> vector<1x32xf32>
    %reduce_sum3A_216 = vector.shape_cast %slice3A_213 : vector<1x32xf32> to vector<1x1x32xf32>
    %reduce_sum3A_217 = arith.constant dense<0.000000e+00> : vector<1xf32>
    %reduce_sum3A_218 = vector.multi_reduction <add>, %reduce_sum3A_216, %reduce_sum3A_217 [1, 2] : vector<1x1x32xf32> to vector<1xf32>
    %reduce_sum3A_219 = vector.shape_cast %reduce_sum3A_218 : vector<1xf32> to vector<1x1x1xf32>
    %reduce_sum3A_220 = vector.extract %reduce_sum3A_219[0, 0, 0] : f32 from vector<1x1x1xf32>
    %convert_element_type3A_221 = arith.fptosi %reduce_sum3A_220 : f32 to i32
    %convert_element_type3A_222 = arith.sitofp %add3A_193 : i32 to f32
    %mul3A_223 = arith.constant 1.000000e+00 : f32
    %mul3A_224 = arith.mulf %mul3A_223, %convert_element_type3A_222 : f32
    %add3A_225 = vector.broadcast %mul3A_224 : f32 to vector<1x32xf32>
    %add3A_226 = arith.addf %add3A_225, %dot_general3A_215 : vector<1x32xf32>
    %add3A_227 = vector.broadcast %add3A_226 : vector<1x32xf32> to vector<128x32xf32>
    %add3A_228 = arith.addf %add3A_227, %dot_general3A_212 : vector<128x32xf32>
    %sub3A_229 = arith.constant 1.000000e+00 : f32
    %sub3A_230 = vector.broadcast %sub3A_229 : f32 to vector<128x32xf32>
    %sub3A_231 = arith.subf %add3A_228, %sub3A_230 : vector<128x32xf32>
    %mul3A_232 = arith.mulf %convert_element_type3A_210, %sub3A_231 : vector<128x32xf32>
    %add3A_233 = arith.addf %add3A_205, %mul3A_232 : vector<128x32xf32>
    %convert_element_type3A_234 = arith.fptosi %add3A_233 : vector<128x32xf32> to vector<128x32xi32>
    %swap3A = arith.constant 0 : index
    %swap3A_235 = arith.constant 0 : index
    %swap3A_236 = vector.load %arg1[%swap3A, %swap3A_235] : memref<128x32xi32, #tpu.memory_space<vmem>>, vector<128x32xi32>
    tpu.vector_store %arg1[%swap3A, %swap3A_235], %convert_element_type3A_234 {strides = array<i32>} : memref<128x32xi32, #tpu.memory_space<vmem>>, vector<128x32xi32>,
    %iota3A_237 = tpu.iota {dimensions = array<i32: 1>} : vector<1x16xi32>
    %broadcast_in_dim3A_238 = arith.constant 0 : i32
    %broadcast_in_dim3A_239 = vector.broadcast %broadcast_in_dim3A_238 : i32 to vector<1x16xi32>
    %div3A = arith.constant 0 : i32
    %div3A_240 = arith.constant 512 : i32
    %div3A_241 = arith.divsi %div3A, %div3A_240 : i32
    %add3A_242 = arith.constant 0 : i32
    %add3A_243 = arith.addi %add3A_242, %convert_element_type3A_20 : i32
    %sub3A_244 = arith.constant 1 : i32
    %sub3A_245 = arith.subi %add3A_243, %sub3A_244 : i32
    %div3A_246 = arith.constant 512 : i32
    %div3A_247 = arith.divsi %sub3A_245, %div3A_246 : i32
    %gt3A = arith.constant 0 : i32
    %gt3A_248 = arith.cmpi sgt, %convert_element_type3A_20, %gt3A : i32
    %sub3A_249 = arith.subi %div3A_247, %div3A_241 : i32
    %add3A_250 = arith.constant 1 : i32
    %add3A_251 = arith.addi %sub3A_249, %add3A_250 : i32
    %jit3A = arith.constant 0 : i32
    %select_n3A = arith.select %gt3A_248, %add3A_251, %jit3A : i32
    %add3A_252 = arith.constant 0 : i32
    %add3A_253 = arith.addi %add3A_252, %select_n3A : i32
    %le3A = vector.broadcast %add3A_253 : i32 to vector<1x16xi32>
    %le3A_254 = arith.cmpi sle, %le3A, %iota3A_237 : vector<1x16xi32>
    %jit3A_255 = arith.constant 1 : i32
    %jit3A_256 = arith.constant 0 : i32
    %broadcast_in_dim3A_257 = vector.broadcast %jit3A_255 : i32 to vector<1x16xi32>
    %broadcast_in_dim3A_258 = vector.broadcast %jit3A_256 : i32 to vector<1x16xi32>
    %select_n3A_259 = arith.select %le3A_254, %broadcast_in_dim3A_257, %broadcast_in_dim3A_258 : vector<1x16xi1>, vector<1x16xi32>
    %add3A_260 = arith.addi %broadcast_in_dim3A_239, %select_n3A_259 : vector<1x16xi32>
    %div3A_261 = arith.constant 512 : i32
    %div3A_262 = arith.divsi %add3A_21, %div3A_261 : i32
    %add3A_263 = arith.addi %add3A_21, %convert_element_type3A_47 : i32
    %sub3A_264 = arith.constant 1 : i32
    %sub3A_265 = arith.subi %add3A_263, %sub3A_264 : i32
    %div3A_266 = arith.constant 512 : i32
    %div3A_267 = arith.divsi %sub3A_265, %div3A_266 : i32
    %gt3A_268 = arith.constant 0 : i32
    %gt3A_269 = arith.cmpi sgt, %convert_element_type3A_47, %gt3A_268 : i32
    %sub3A_270 = arith.subi %div3A_267, %div3A_262 : i32
    %add3A_271 = arith.constant 1 : i32
    %add3A_272 = arith.addi %sub3A_270, %add3A_271 : i32
    %jit3A_273 = arith.constant 0 : i32
    %select_n3A_274 = arith.select %gt3A_269, %add3A_272, %jit3A_273 : i32
    %add3A_275 = arith.addi %add3A_253, %select_n3A_274 : i32
    %le3A_276 = vector.broadcast %add3A_275 : i32 to vector<1x16xi32>
    %le3A_277 = arith.cmpi sle, %le3A_276, %iota3A_237 : vector<1x16xi32>
    %jit3A_278 = arith.constant 1 : i32
    %jit3A_279 = arith.constant 0 : i32
    %broadcast_in_dim3A_280 = vector.broadcast %jit3A_278 : i32 to vector<1x16xi32>
    %broadcast_in_dim3A_281 = vector.broadcast %jit3A_279 : i32 to vector<1x16xi32>
    %select_n3A_282 = arith.select %le3A_277, %broadcast_in_dim3A_280, %broadcast_in_dim3A_281 : vector<1x16xi1>, vector<1x16xi32>
    %add3A_283 = arith.addi %add3A_260, %select_n3A_282 : vector<1x16xi32>
    %div3A_284 = arith.constant 512 : i32
    %div3A_285 = arith.divsi %add3A_48, %div3A_284 : i32
    %add3A_286 = arith.addi %add3A_48, %convert_element_type3A_76 : i32
    %sub3A_287 = arith.constant 1 : i32
    %sub3A_288 = arith.subi %add3A_286, %sub3A_287 : i32
    %div3A_289 = arith.constant 512 : i32
    %div3A_290 = arith.divsi %sub3A_288, %div3A_289 : i32
    %gt3A_291 = arith.constant 0 : i32
    %gt3A_292 = arith.cmpi sgt, %convert_element_type3A_76, %gt3A_291 : i32
    %sub3A_293 = arith.subi %div3A_290, %div3A_285 : i32
    %add3A_294 = arith.constant 1 : i32
    %add3A_295 = arith.addi %sub3A_293, %add3A_294 : i32
    %jit3A_296 = arith.constant 0 : i32
    %select_n3A_297 = arith.select %gt3A_292, %add3A_295, %jit3A_296 : i32
    %add3A_298 = arith.addi %add3A_275, %select_n3A_297 : i32
    %le3A_299 = vector.broadcast %add3A_298 : i32 to vector<1x16xi32>
    %le3A_300 = arith.cmpi sle, %le3A_299, %iota3A_237 : vector<1x16xi32>
    %jit3A_301 = arith.constant 1 : i32
    %jit3A_302 = arith.constant 0 : i32
    %broadcast_in_dim3A_303 = vector.broadcast %jit3A_301 : i32 to vector<1x16xi32>
    %broadcast_in_dim3A_304 = vector.broadcast %jit3A_302 : i32 to vector<1x16xi32>
    %select_n3A_305 = arith.select %le3A_300, %broadcast_in_dim3A_303, %broadcast_in_dim3A_304 : vector<1x16xi1>, vector<1x16xi32>
    %add3A_306 = arith.addi %add3A_283, %select_n3A_305 : vector<1x16xi32>
    %div3A_307 = arith.constant 512 : i32
    %div3A_308 = arith.divsi %add3A_77, %div3A_307 : i32
    %add3A_309 = arith.addi %add3A_77, %convert_element_type3A_105 : i32
    %sub3A_310 = arith.constant 1 : i32
    %sub3A_311 = arith.subi %add3A_309, %sub3A_310 : i32
    %div3A_312 = arith.constant 512 : i32
    %div3A_313 = arith.divsi %sub3A_311, %div3A_312 : i32
    %gt3A_314 = arith.constant 0 : i32
    %gt3A_315 = arith.cmpi sgt, %convert_element_type3A_105, %gt3A_314 : i32
    %sub3A_316 = arith.subi %div3A_313, %div3A_308 : i32
    %add3A_317 = arith.constant 1 : i32
    %add3A_318 = arith.addi %sub3A_316, %add3A_317 : i32
    %jit3A_319 = arith.constant 0 : i32
    %select_n3A_320 = arith.select %gt3A_315, %add3A_318, %jit3A_319 : i32
    %add3A_321 = arith.addi %add3A_298, %select_n3A_320 : i32
    %le3A_322 = vector.broadcast %add3A_321 : i32 to vector<1x16xi32>
    %le3A_323 = arith.cmpi sle, %le3A_322, %iota3A_237 : vector<1x16xi32>
    %jit3A_324 = arith.constant 1 : i32
    %jit3A_325 = arith.constant 0 : i32
    %broadcast_in_dim3A_326 = vector.broadcast %jit3A_324 : i32 to vector<1x16xi32>
    %broadcast_in_dim3A_327 = vector.broadcast %jit3A_325 : i32 to vector<1x16xi32>
    %select_n3A_328 = arith.select %le3A_323, %broadcast_in_dim3A_326, %broadcast_in_dim3A_327 : vector<1x16xi1>, vector<1x16xi32>
    %add3A_329 = arith.addi %add3A_306, %select_n3A_328 : vector<1x16xi32>
    %div3A_330 = arith.constant 512 : i32
    %div3A_331 = arith.divsi %add3A_106, %div3A_330 : i32
    %add3A_332 = arith.addi %add3A_106, %convert_element_type3A_134 : i32
    %sub3A_333 = arith.constant 1 : i32
    %sub3A_334 = arith.subi %add3A_332, %sub3A_333 : i32
    %div3A_335 = arith.constant 512 : i32
    %div3A_336 = arith.divsi %sub3A_334, %div3A_335 : i32
    %gt3A_337 = arith.constant 0 : i32
    %gt3A_338 = arith.cmpi sgt, %convert_element_type3A_134, %gt3A_337 : i32
    %sub3A_339 = arith.subi %div3A_336, %div3A_331 : i32
    %add3A_340 = arith.constant 1 : i32
    %add3A_341 = arith.addi %sub3A_339, %add3A_340 : i32
    %jit3A_342 = arith.constant 0 : i32
    %select_n3A_343 = arith.select %gt3A_338, %add3A_341, %jit3A_342 : i32
    %add3A_344 = arith.addi %add3A_321, %select_n3A_343 : i32
    %le3A_345 = vector.broadcast %add3A_344 : i32 to vector<1x16xi32>
    %le3A_346 = arith.cmpi sle, %le3A_345, %iota3A_237 : vector<1x16xi32>
    %jit3A_347 = arith.constant 1 : i32
    %jit3A_348 = arith.constant 0 : i32
    %broadcast_in_dim3A_349 = vector.broadcast %jit3A_347 : i32 to vector<1x16xi32>
    %broadcast_in_dim3A_350 = vector.broadcast %jit3A_348 : i32 to vector<1x16xi32>
    %select_n3A_351 = arith.select %le3A_346, %broadcast_in_dim3A_349, %broadcast_in_dim3A_350 : vector<1x16xi1>, vector<1x16xi32>
    %add3A_352 = arith.addi %add3A_329, %select_n3A_351 : vector<1x16xi32>
    %div3A_353 = arith.constant 512 : i32
    %div3A_354 = arith.divsi %add3A_135, %div3A_353 : i32
    %add3A_355 = arith.addi %add3A_135, %convert_element_type3A_163 : i32
    %sub3A_356 = arith.constant 1 : i32
    %sub3A_357 = arith.subi %add3A_355, %sub3A_356 : i32
    %div3A_358 = arith.constant 512 : i32
    %div3A_359 = arith.divsi %sub3A_357, %div3A_358 : i32
    %gt3A_360 = arith.constant 0 : i32
    %gt3A_361 = arith.cmpi sgt, %convert_element_type3A_163, %gt3A_360 : i32
    %sub3A_362 = arith.subi %div3A_359, %div3A_354 : i32
    %add3A_363 = arith.constant 1 : i32
    %add3A_364 = arith.addi %sub3A_362, %add3A_363 : i32
    %jit3A_365 = arith.constant 0 : i32
    %select_n3A_366 = arith.select %gt3A_361, %add3A_364, %jit3A_365 : i32
    %add3A_367 = arith.addi %add3A_344, %select_n3A_366 : i32
    %le3A_368 = vector.broadcast %add3A_367 : i32 to vector<1x16xi32>
    %le3A_369 = arith.cmpi sle, %le3A_368, %iota3A_237 : vector<1x16xi32>
    %jit3A_370 = arith.constant 1 : i32
    %jit3A_371 = arith.constant 0 : i32
    %broadcast_in_dim3A_372 = vector.broadcast %jit3A_370 : i32 to vector<1x16xi32>
    %broadcast_in_dim3A_373 = vector.broadcast %jit3A_371 : i32 to vector<1x16xi32>
    %select_n3A_374 = arith.select %le3A_369, %broadcast_in_dim3A_372, %broadcast_in_dim3A_373 : vector<1x16xi1>, vector<1x16xi32>
    %add3A_375 = arith.addi %add3A_352, %select_n3A_374 : vector<1x16xi32>
    %div3A_376 = arith.constant 512 : i32
    %div3A_377 = arith.divsi %add3A_164, %div3A_376 : i32
    %add3A_378 = arith.addi %add3A_164, %convert_element_type3A_192 : i32
    %sub3A_379 = arith.constant 1 : i32
    %sub3A_380 = arith.subi %add3A_378, %sub3A_379 : i32
    %div3A_381 = arith.constant 512 : i32
    %div3A_382 = arith.divsi %sub3A_380, %div3A_381 : i32
    %gt3A_383 = arith.constant 0 : i32
    %gt3A_384 = arith.cmpi sgt, %convert_element_type3A_192, %gt3A_383 : i32
    %sub3A_385 = arith.subi %div3A_382, %div3A_377 : i32
    %add3A_386 = arith.constant 1 : i32
    %add3A_387 = arith.addi %sub3A_385, %add3A_386 : i32
    %jit3A_388 = arith.constant 0 : i32
    %select_n3A_389 = arith.select %gt3A_384, %add3A_387, %jit3A_388 : i32
    %add3A_390 = arith.addi %add3A_367, %select_n3A_389 : i32
    %le3A_391 = vector.broadcast %add3A_390 : i32 to vector<1x16xi32>
    %le3A_392 = arith.cmpi sle, %le3A_391, %iota3A_237 : vector<1x16xi32>
    %jit3A_393 = arith.constant 1 : i32
    %jit3A_394 = arith.constant 0 : i32
    %broadcast_in_dim3A_395 = vector.broadcast %jit3A_393 : i32 to vector<1x16xi32>
    %broadcast_in_dim3A_396 = vector.broadcast %jit3A_394 : i32 to vector<1x16xi32>
    %select_n3A_397 = arith.select %le3A_392, %broadcast_in_dim3A_395, %broadcast_in_dim3A_396 : vector<1x16xi1>, vector<1x16xi32>
    %add3A_398 = arith.addi %add3A_375, %select_n3A_397 : vector<1x16xi32>
    %div3A_399 = arith.constant 512 : i32
    %div3A_400 = arith.divsi %add3A_193, %div3A_399 : i32
    %add3A_401 = arith.addi %add3A_193, %convert_element_type3A_221 : i32
    %sub3A_402 = arith.constant 1 : i32
    %sub3A_403 = arith.subi %add3A_401, %sub3A_402 : i32
    %div3A_404 = arith.constant 512 : i32
    %div3A_405 = arith.divsi %sub3A_403, %div3A_404 : i32
    %gt3A_406 = arith.constant 0 : i32
    %gt3A_407 = arith.cmpi sgt, %convert_element_type3A_221, %gt3A_406 : i32
    %sub3A_408 = arith.subi %div3A_405, %div3A_400 : i32
    %add3A_409 = arith.constant 1 : i32
    %add3A_410 = arith.addi %sub3A_408, %add3A_409 : i32
    %jit3A_411 = arith.constant 0 : i32
    %select_n3A_412 = arith.select %gt3A_407, %add3A_410, %jit3A_411 : i32
    %add3A_413 = arith.addi %add3A_390, %select_n3A_412 : i32
    %broadcast_in_dim3A_414 = arith.constant 0 : i32
    %broadcast_in_dim3A_415 = vector.broadcast %broadcast_in_dim3A_414 : i32 to vector<1x16xi32>
    %broadcast_in_dim3A_416 = arith.constant 0 : i32
    %broadcast_in_dim3A_417 = vector.broadcast %broadcast_in_dim3A_416 : i32 to vector<1x16xi32>
    %broadcast_in_dim3A_418 = arith.constant 0 : i32
    %broadcast_in_dim3A_419 = vector.broadcast %broadcast_in_dim3A_418 : i32 to vector<1x16xi32>
    %eq3A_420 = arith.constant 0 : i32
    %eq3A_421 = vector.broadcast %eq3A_420 : i32 to vector<1x16xi32>
    %eq3A_422 = arith.cmpi eq, %add3A_398, %eq3A_421 : vector<1x16xi32>
    %sub3A_423 = arith.constant 0 : i32
    %sub3A_424 = vector.broadcast %sub3A_423 : i32 to vector<1x16xi32>
    %sub3A_425 = arith.subi %iota3A_237, %sub3A_424 : vector<1x16xi32>
    %add3A_426 = vector.broadcast %div3A_241 : i32 to vector<1x16xi32>
    %add3A_427 = arith.addi %add3A_426, %sub3A_425 : vector<1x16xi32>
    %select_n3A_428 = arith.select %eq3A_422, %add3A_427, %broadcast_in_dim3A_415 : vector<1x16xi1>, vector<1x16xi32>
    %mul3A_429 = arith.constant 512 : i32
    %mul3A_430 = vector.broadcast %mul3A_429 : i32 to vector<1x16xi32>
    %mul3A_431 = arith.muli %add3A_427, %mul3A_430 : vector<1x16xi32>
    %max3A = arith.constant 0 : i32
    %max3A_432 = vector.broadcast %max3A : i32 to vector<1x16xi32>
    %max3A_433 = arith.maxsi %max3A_432, %mul3A_431 : vector<1x16xi32>
    %select_n3A_434 = arith.select %eq3A_422, %max3A_433, %broadcast_in_dim3A_417 : vector<1x16xi1>, vector<1x16xi32>
    %add3A_435 = arith.constant 0 : i32
    %add3A_436 = arith.addi %add3A_435, %convert_element_type3A_20 : i32
    %add3A_437 = arith.constant 1 : i32
    %add3A_438 = vector.broadcast %add3A_437 : i32 to vector<1x16xi32>
    %add3A_439 = arith.addi %add3A_427, %add3A_438 : vector<1x16xi32>
    %mul3A_440 = arith.constant 512 : i32
    %mul3A_441 = vector.broadcast %mul3A_440 : i32 to vector<1x16xi32>
    %mul3A_442 = arith.muli %add3A_439, %mul3A_441 : vector<1x16xi32>
    %min3A = vector.broadcast %add3A_436 : i32 to vector<1x16xi32>
    %min3A_443 = arith.minsi %min3A, %mul3A_442 : vector<1x16xi32>
    %select_n3A_444 = arith.select %eq3A_422, %min3A_443, %broadcast_in_dim3A_419 : vector<1x16xi1>, vector<1x16xi32>
    %add3A_445 = arith.constant 0 : i32
    %add3A_446 = arith.addi %add3A_445, %select_n3A : i32
    %eq3A_447 = arith.constant 1 : i32
    %eq3A_448 = vector.broadcast %eq3A_447 : i32 to vector<1x16xi32>
    %eq3A_449 = arith.cmpi eq, %add3A_398, %eq3A_448 : vector<1x16xi32>
    %sub3A_450 = vector.broadcast %add3A_446 : i32 to vector<1x16xi32>
    %sub3A_451 = arith.subi %iota3A_237, %sub3A_450 : vector<1x16xi32>
    %add3A_452 = vector.broadcast %div3A_262 : i32 to vector<1x16xi32>
    %add3A_453 = arith.addi %add3A_452, %sub3A_451 : vector<1x16xi32>
    %select_n3A_454 = arith.select %eq3A_449, %add3A_453, %select_n3A_428 : vector<1x16xi1>, vector<1x16xi32>
    %mul3A_455 = arith.constant 512 : i32
    %mul3A_456 = vector.broadcast %mul3A_455 : i32 to vector<1x16xi32>
    %mul3A_457 = arith.muli %add3A_453, %mul3A_456 : vector<1x16xi32>
    %max3A_458 = vector.broadcast %add3A_21 : i32 to vector<1x16xi32>
    %max3A_459 = arith.maxsi %max3A_458, %mul3A_457 : vector<1x16xi32>
    %select_n3A_460 = arith.select %eq3A_449, %max3A_459, %select_n3A_434 : vector<1x16xi1>, vector<1x16xi32>
    %add3A_461 = arith.addi %add3A_21, %convert_element_type3A_47 : i32
    %add3A_462 = arith.constant 1 : i32
    %add3A_463 = vector.broadcast %add3A_462 : i32 to vector<1x16xi32>
    %add3A_464 = arith.addi %add3A_453, %add3A_463 : vector<1x16xi32>
    %mul3A_465 = arith.constant 512 : i32
    %mul3A_466 = vector.broadcast %mul3A_465 : i32 to vector<1x16xi32>
    %mul3A_467 = arith.muli %add3A_464, %mul3A_466 : vector<1x16xi32>
    %min3A_468 = vector.broadcast %add3A_461 : i32 to vector<1x16xi32>
    %min3A_469 = arith.minsi %min3A_468, %mul3A_467 : vector<1x16xi32>
    %select_n3A_470 = arith.select %eq3A_449, %min3A_469, %select_n3A_444 : vector<1x16xi1>, vector<1x16xi32>
    %add3A_471 = arith.addi %add3A_446, %select_n3A_274 : i32
    %eq3A_472 = arith.constant 2 : i32
    %eq3A_473 = vector.broadcast %eq3A_472 : i32 to vector<1x16xi32>
    %eq3A_474 = arith.cmpi eq, %add3A_398, %eq3A_473 : vector<1x16xi32>
    %sub3A_475 = vector.broadcast %add3A_471 : i32 to vector<1x16xi32>
    %sub3A_476 = arith.subi %iota3A_237, %sub3A_475 : vector<1x16xi32>
    %add3A_477 = vector.broadcast %div3A_285 : i32 to vector<1x16xi32>
    %add3A_478 = arith.addi %add3A_477, %sub3A_476 : vector<1x16xi32>
    %select_n3A_479 = arith.select %eq3A_474, %add3A_478, %select_n3A_454 : vector<1x16xi1>, vector<1x16xi32>
    %mul3A_480 = arith.constant 512 : i32
    %mul3A_481 = vector.broadcast %mul3A_480 : i32 to vector<1x16xi32>
    %mul3A_482 = arith.muli %add3A_478, %mul3A_481 : vector<1x16xi32>
    %max3A_483 = vector.broadcast %add3A_48 : i32 to vector<1x16xi32>
    %max3A_484 = arith.maxsi %max3A_483, %mul3A_482 : vector<1x16xi32>
    %select_n3A_485 = arith.select %eq3A_474, %max3A_484, %select_n3A_460 : vector<1x16xi1>, vector<1x16xi32>
    %add3A_486 = arith.addi %add3A_48, %convert_element_type3A_76 : i32
    %add3A_487 = arith.constant 1 : i32
    %add3A_488 = vector.broadcast %add3A_487 : i32 to vector<1x16xi32>
    %add3A_489 = arith.addi %add3A_478, %add3A_488 : vector<1x16xi32>
    %mul3A_490 = arith.constant 512 : i32
    %mul3A_491 = vector.broadcast %mul3A_490 : i32 to vector<1x16xi32>
    %mul3A_492 = arith.muli %add3A_489, %mul3A_491 : vector<1x16xi32>
    %min3A_493 = vector.broadcast %add3A_486 : i32 to vector<1x16xi32>
    %min3A_494 = arith.minsi %min3A_493, %mul3A_492 : vector<1x16xi32>
    %select_n3A_495 = arith.select %eq3A_474, %min3A_494, %select_n3A_470 : vector<1x16xi1>, vector<1x16xi32>
    %add3A_496 = arith.addi %add3A_471, %select_n3A_297 : i32
    %eq3A_497 = arith.constant 3 : i32
    %eq3A_498 = vector.broadcast %eq3A_497 : i32 to vector<1x16xi32>
    %eq3A_499 = arith.cmpi eq, %add3A_398, %eq3A_498 : vector<1x16xi32>
    %sub3A_500 = vector.broadcast %add3A_496 : i32 to vector<1x16xi32>
    %sub3A_501 = arith.subi %iota3A_237, %sub3A_500 : vector<1x16xi32>
    %add3A_502 = vector.broadcast %div3A_308 : i32 to vector<1x16xi32>
    %add3A_503 = arith.addi %add3A_502, %sub3A_501 : vector<1x16xi32>
    %select_n3A_504 = arith.select %eq3A_499, %add3A_503, %select_n3A_479 : vector<1x16xi1>, vector<1x16xi32>
    %mul3A_505 = arith.constant 512 : i32
    %mul3A_506 = vector.broadcast %mul3A_505 : i32 to vector<1x16xi32>
    %mul3A_507 = arith.muli %add3A_503, %mul3A_506 : vector<1x16xi32>
    %max3A_508 = vector.broadcast %add3A_77 : i32 to vector<1x16xi32>
    %max3A_509 = arith.maxsi %max3A_508, %mul3A_507 : vector<1x16xi32>
    %select_n3A_510 = arith.select %eq3A_499, %max3A_509, %select_n3A_485 : vector<1x16xi1>, vector<1x16xi32>
    %add3A_511 = arith.addi %add3A_77, %convert_element_type3A_105 : i32
    %add3A_512 = arith.constant 1 : i32
    %add3A_513 = vector.broadcast %add3A_512 : i32 to vector<1x16xi32>
    %add3A_514 = arith.addi %add3A_503, %add3A_513 : vector<1x16xi32>
    %mul3A_515 = arith.constant 512 : i32
    %mul3A_516 = vector.broadcast %mul3A_515 : i32 to vector<1x16xi32>
    %mul3A_517 = arith.muli %add3A_514, %mul3A_516 : vector<1x16xi32>
    %min3A_518 = vector.broadcast %add3A_511 : i32 to vector<1x16xi32>
    %min3A_519 = arith.minsi %min3A_518, %mul3A_517 : vector<1x16xi32>
    %select_n3A_520 = arith.select %eq3A_499, %min3A_519, %select_n3A_495 : vector<1x16xi1>, vector<1x16xi32>
    %add3A_521 = arith.addi %add3A_496, %select_n3A_320 : i32
    %eq3A_522 = arith.constant 4 : i32
    %eq3A_523 = vector.broadcast %eq3A_522 : i32 to vector<1x16xi32>
    %eq3A_524 = arith.cmpi eq, %add3A_398, %eq3A_523 : vector<1x16xi32>
    %sub3A_525 = vector.broadcast %add3A_521 : i32 to vector<1x16xi32>
    %sub3A_526 = arith.subi %iota3A_237, %sub3A_525 : vector<1x16xi32>
    %add3A_527 = vector.broadcast %div3A_331 : i32 to vector<1x16xi32>
    %add3A_528 = arith.addi %add3A_527, %sub3A_526 : vector<1x16xi32>
    %select_n3A_529 = arith.select %eq3A_524, %add3A_528, %select_n3A_504 : vector<1x16xi1>, vector<1x16xi32>
    %mul3A_530 = arith.constant 512 : i32
    %mul3A_531 = vector.broadcast %mul3A_530 : i32 to vector<1x16xi32>
    %mul3A_532 = arith.muli %add3A_528, %mul3A_531 : vector<1x16xi32>
    %max3A_533 = vector.broadcast %add3A_106 : i32 to vector<1x16xi32>
    %max3A_534 = arith.maxsi %max3A_533, %mul3A_532 : vector<1x16xi32>
    %select_n3A_535 = arith.select %eq3A_524, %max3A_534, %select_n3A_510 : vector<1x16xi1>, vector<1x16xi32>
    %add3A_536 = arith.addi %add3A_106, %convert_element_type3A_134 : i32
    %add3A_537 = arith.constant 1 : i32
    %add3A_538 = vector.broadcast %add3A_537 : i32 to vector<1x16xi32>
    %add3A_539 = arith.addi %add3A_528, %add3A_538 : vector<1x16xi32>
    %mul3A_540 = arith.constant 512 : i32
    %mul3A_541 = vector.broadcast %mul3A_540 : i32 to vector<1x16xi32>
    %mul3A_542 = arith.muli %add3A_539, %mul3A_541 : vector<1x16xi32>
    %min3A_543 = vector.broadcast %add3A_536 : i32 to vector<1x16xi32>
    %min3A_544 = arith.minsi %min3A_543, %mul3A_542 : vector<1x16xi32>
    %select_n3A_545 = arith.select %eq3A_524, %min3A_544, %select_n3A_520 : vector<1x16xi1>, vector<1x16xi32>
    %add3A_546 = arith.addi %add3A_521, %select_n3A_343 : i32
    %eq3A_547 = arith.constant 5 : i32
    %eq3A_548 = vector.broadcast %eq3A_547 : i32 to vector<1x16xi32>
    %eq3A_549 = arith.cmpi eq, %add3A_398, %eq3A_548 : vector<1x16xi32>
    %sub3A_550 = vector.broadcast %add3A_546 : i32 to vector<1x16xi32>
    %sub3A_551 = arith.subi %iota3A_237, %sub3A_550 : vector<1x16xi32>
    %add3A_552 = vector.broadcast %div3A_354 : i32 to vector<1x16xi32>
    %add3A_553 = arith.addi %add3A_552, %sub3A_551 : vector<1x16xi32>
    %select_n3A_554 = arith.select %eq3A_549, %add3A_553, %select_n3A_529 : vector<1x16xi1>, vector<1x16xi32>
    %mul3A_555 = arith.constant 512 : i32
    %mul3A_556 = vector.broadcast %mul3A_555 : i32 to vector<1x16xi32>
    %mul3A_557 = arith.muli %add3A_553, %mul3A_556 : vector<1x16xi32>
    %max3A_558 = vector.broadcast %add3A_135 : i32 to vector<1x16xi32>
    %max3A_559 = arith.maxsi %max3A_558, %mul3A_557 : vector<1x16xi32>
    %select_n3A_560 = arith.select %eq3A_549, %max3A_559, %select_n3A_535 : vector<1x16xi1>, vector<1x16xi32>
    %add3A_561 = arith.addi %add3A_135, %convert_element_type3A_163 : i32
    %add3A_562 = arith.constant 1 : i32
    %add3A_563 = vector.broadcast %add3A_562 : i32 to vector<1x16xi32>
    %add3A_564 = arith.addi %add3A_553, %add3A_563 : vector<1x16xi32>
    %mul3A_565 = arith.constant 512 : i32
    %mul3A_566 = vector.broadcast %mul3A_565 : i32 to vector<1x16xi32>
    %mul3A_567 = arith.muli %add3A_564, %mul3A_566 : vector<1x16xi32>
    %min3A_568 = vector.broadcast %add3A_561 : i32 to vector<1x16xi32>
    %min3A_569 = arith.minsi %min3A_568, %mul3A_567 : vector<1x16xi32>
    %select_n3A_570 = arith.select %eq3A_549, %min3A_569, %select_n3A_545 : vector<1x16xi1>, vector<1x16xi32>
    %add3A_571 = arith.addi %add3A_546, %select_n3A_366 : i32
    %eq3A_572 = arith.constant 6 : i32
    %eq3A_573 = vector.broadcast %eq3A_572 : i32 to vector<1x16xi32>
    %eq3A_574 = arith.cmpi eq, %add3A_398, %eq3A_573 : vector<1x16xi32>
    %sub3A_575 = vector.broadcast %add3A_571 : i32 to vector<1x16xi32>
    %sub3A_576 = arith.subi %iota3A_237, %sub3A_575 : vector<1x16xi32>
    %add3A_577 = vector.broadcast %div3A_377 : i32 to vector<1x16xi32>
    %add3A_578 = arith.addi %add3A_577, %sub3A_576 : vector<1x16xi32>
    %select_n3A_579 = arith.select %eq3A_574, %add3A_578, %select_n3A_554 : vector<1x16xi1>, vector<1x16xi32>
    %mul3A_580 = arith.constant 512 : i32
    %mul3A_581 = vector.broadcast %mul3A_580 : i32 to vector<1x16xi32>
    %mul3A_582 = arith.muli %add3A_578, %mul3A_581 : vector<1x16xi32>
    %max3A_583 = vector.broadcast %add3A_164 : i32 to vector<1x16xi32>
    %max3A_584 = arith.maxsi %max3A_583, %mul3A_582 : vector<1x16xi32>
    %select_n3A_585 = arith.select %eq3A_574, %max3A_584, %select_n3A_560 : vector<1x16xi1>, vector<1x16xi32>
    %add3A_586 = arith.addi %add3A_164, %convert_element_type3A_192 : i32
    %add3A_587 = arith.constant 1 : i32
    %add3A_588 = vector.broadcast %add3A_587 : i32 to vector<1x16xi32>
    %add3A_589 = arith.addi %add3A_578, %add3A_588 : vector<1x16xi32>
    %mul3A_590 = arith.constant 512 : i32
    %mul3A_591 = vector.broadcast %mul3A_590 : i32 to vector<1x16xi32>
    %mul3A_592 = arith.muli %add3A_589, %mul3A_591 : vector<1x16xi32>
    %min3A_593 = vector.broadcast %add3A_586 : i32 to vector<1x16xi32>
    %min3A_594 = arith.minsi %min3A_593, %mul3A_592 : vector<1x16xi32>
    %select_n3A_595 = arith.select %eq3A_574, %min3A_594, %select_n3A_570 : vector<1x16xi1>, vector<1x16xi32>
    %add3A_596 = arith.addi %add3A_571, %select_n3A_389 : i32
    %eq3A_597 = arith.constant 7 : i32
    %eq3A_598 = vector.broadcast %eq3A_597 : i32 to vector<1x16xi32>
    %eq3A_599 = arith.cmpi eq, %add3A_398, %eq3A_598 : vector<1x16xi32>
    %sub3A_600 = vector.broadcast %add3A_596 : i32 to vector<1x16xi32>
    %sub3A_601 = arith.subi %iota3A_237, %sub3A_600 : vector<1x16xi32>
    %add3A_602 = vector.broadcast %div3A_400 : i32 to vector<1x16xi32>
    %add3A_603 = arith.addi %add3A_602, %sub3A_601 : vector<1x16xi32>
    %select_n3A_604 = arith.select %eq3A_599, %add3A_603, %select_n3A_579 : vector<1x16xi1>, vector<1x16xi32>
    %mul3A_605 = arith.constant 512 : i32
    %mul3A_606 = vector.broadcast %mul3A_605 : i32 to vector<1x16xi32>
    %mul3A_607 = arith.muli %add3A_603, %mul3A_606 : vector<1x16xi32>
    %max3A_608 = vector.broadcast %add3A_193 : i32 to vector<1x16xi32>
    %max3A_609 = arith.maxsi %max3A_608, %mul3A_607 : vector<1x16xi32>
    %select_n3A_610 = arith.select %eq3A_599, %max3A_609, %select_n3A_585 : vector<1x16xi1>, vector<1x16xi32>
    %add3A_611 = arith.addi %add3A_193, %convert_element_type3A_221 : i32
    %add3A_612 = arith.constant 1 : i32
    %add3A_613 = vector.broadcast %add3A_612 : i32 to vector<1x16xi32>
    %add3A_614 = arith.addi %add3A_603, %add3A_613 : vector<1x16xi32>
    %mul3A_615 = arith.constant 512 : i32
    %mul3A_616 = vector.broadcast %mul3A_615 : i32 to vector<1x16xi32>
    %mul3A_617 = arith.muli %add3A_614, %mul3A_616 : vector<1x16xi32>
    %min3A_618 = vector.broadcast %add3A_611 : i32 to vector<1x16xi32>
    %min3A_619 = arith.minsi %min3A_618, %mul3A_617 : vector<1x16xi32>
    %select_n3A_620 = arith.select %eq3A_599, %min3A_619, %select_n3A_595 : vector<1x16xi1>, vector<1x16xi32>
    %lt3A_621 = vector.broadcast %add3A_413 : i32 to vector<1x16xi32>
    %lt3A_622 = arith.cmpi slt, %iota3A_237, %lt3A_621 : vector<1x16xi32>
    %jit3A_623 = arith.constant 7 : i32
    %broadcast_in_dim3A_624 = vector.broadcast %jit3A_623 : i32 to vector<1x16xi32>
    %select_n3A_625 = arith.select %lt3A_622, %select_n3A_604, %broadcast_in_dim3A_624 : vector<1x16xi1>, vector<1x16xi32>
    %jit3A_626 = arith.constant 0 : i32
    %broadcast_in_dim3A_627 = vector.broadcast %jit3A_626 : i32 to vector<1x16xi32>
    %select_n3A_628 = arith.select %lt3A_622, %select_n3A_610, %broadcast_in_dim3A_627 : vector<1x16xi1>, vector<1x16xi32>
    %jit3A_629 = arith.constant 0 : i32
    %broadcast_in_dim3A_630 = vector.broadcast %jit3A_629 : i32 to vector<1x16xi32>
    %select_n3A_631 = arith.select %lt3A_622, %select_n3A_620, %broadcast_in_dim3A_630 : vector<1x16xi1>, vector<1x16xi32>
    %sub3A_632 = arith.constant 1 : i32
    %sub3A_633 = vector.broadcast %sub3A_632 : i32 to vector<1x16xi32>
    %sub3A_634 = arith.subi %iota3A_237, %sub3A_633 : vector<1x16xi32>
    %broadcast_in_dim3A_635 = arith.constant 0 : i32
    %broadcast_in_dim3A_636 = vector.broadcast %broadcast_in_dim3A_635 : i32 to vector<1x16xi32>
    %div3A_637 = arith.constant 0 : i32
    %div3A_638 = arith.constant 512 : i32
    %div3A_639 = arith.divsi %div3A_637, %div3A_638 : i32
    %add3A_640 = arith.constant 0 : i32
    %add3A_641 = arith.addi %add3A_640, %convert_element_type3A_20 : i32
    %sub3A_642 = arith.constant 1 : i32
    %sub3A_643 = arith.subi %add3A_641, %sub3A_642 : i32
    %div3A_644 = arith.constant 512 : i32
    %div3A_645 = arith.divsi %sub3A_643, %div3A_644 : i32
    %gt3A_646 = arith.constant 0 : i32
    %gt3A_647 = arith.cmpi sgt, %convert_element_type3A_20, %gt3A_646 : i32
    %sub3A_648 = arith.subi %div3A_645, %div3A_639 : i32
    %add3A_649 = arith.constant 1 : i32
    %add3A_650 = arith.addi %sub3A_648, %add3A_649 : i32
    %jit3A_651 = arith.constant 0 : i32
    %select_n3A_652 = arith.select %gt3A_647, %add3A_650, %jit3A_651 : i32
    %add3A_653 = arith.constant 0 : i32
    %add3A_654 = arith.addi %add3A_653, %select_n3A_652 : i32
    %le3A_655 = vector.broadcast %add3A_654 : i32 to vector<1x16xi32>
    %le3A_656 = arith.cmpi sle, %le3A_655, %sub3A_634 : vector<1x16xi32>
    %jit3A_657 = arith.constant 1 : i32
    %jit3A_658 = arith.constant 0 : i32
    %broadcast_in_dim3A_659 = vector.broadcast %jit3A_657 : i32 to vector<1x16xi32>
    %broadcast_in_dim3A_660 = vector.broadcast %jit3A_658 : i32 to vector<1x16xi32>
    %select_n3A_661 = arith.select %le3A_656, %broadcast_in_dim3A_659, %broadcast_in_dim3A_660 : vector<1x16xi1>, vector<1x16xi32>
    %add3A_662 = arith.addi %broadcast_in_dim3A_636, %select_n3A_661 : vector<1x16xi32>
    %div3A_663 = arith.constant 512 : i32
    %div3A_664 = arith.divsi %add3A_21, %div3A_663 : i32
    %add3A_665 = arith.addi %add3A_21, %convert_element_type3A_47 : i32
    %sub3A_666 = arith.constant 1 : i32
    %sub3A_667 = arith.subi %add3A_665, %sub3A_666 : i32
    %div3A_668 = arith.constant 512 : i32
    %div3A_669 = arith.divsi %sub3A_667, %div3A_668 : i32
    %gt3A_670 = arith.constant 0 : i32
    %gt3A_671 = arith.cmpi sgt, %convert_element_type3A_47, %gt3A_670 : i32
    %sub3A_672 = arith.subi %div3A_669, %div3A_664 : i32
    %add3A_673 = arith.constant 1 : i32
    %add3A_674 = arith.addi %sub3A_672, %add3A_673 : i32
    %jit3A_675 = arith.constant 0 : i32
    %select_n3A_676 = arith.select %gt3A_671, %add3A_674, %jit3A_675 : i32
    %add3A_677 = arith.addi %add3A_654, %select_n3A_676 : i32
    %le3A_678 = vector.broadcast %add3A_677 : i32 to vector<1x16xi32>
    %le3A_679 = arith.cmpi sle, %le3A_678, %sub3A_634 : vector<1x16xi32>
    %jit3A_680 = arith.constant 1 : i32
    %jit3A_681 = arith.constant 0 : i32
    %broadcast_in_dim3A_682 = vector.broadcast %jit3A_680 : i32 to vector<1x16xi32>
    %broadcast_in_dim3A_683 = vector.broadcast %jit3A_681 : i32 to vector<1x16xi32>
    %select_n3A_684 = arith.select %le3A_679, %broadcast_in_dim3A_682, %broadcast_in_dim3A_683 : vector<1x16xi1>, vector<1x16xi32>
    %add3A_685 = arith.addi %add3A_662, %select_n3A_684 : vector<1x16xi32>
    %div3A_686 = arith.constant 512 : i32
    %div3A_687 = arith.divsi %add3A_48, %div3A_686 : i32
    %add3A_688 = arith.addi %add3A_48, %convert_element_type3A_76 : i32
    %sub3A_689 = arith.constant 1 : i32
    %sub3A_690 = arith.subi %add3A_688, %sub3A_689 : i32
    %div3A_691 = arith.constant 512 : i32
    %div3A_692 = arith.divsi %sub3A_690, %div3A_691 : i32
    %gt3A_693 = arith.constant 0 : i32
    %gt3A_694 = arith.cmpi sgt, %convert_element_type3A_76, %gt3A_693 : i32
    %sub3A_695 = arith.subi %div3A_692, %div3A_687 : i32
    %add3A_696 = arith.constant 1 : i32
    %add3A_697 = arith.addi %sub3A_695, %add3A_696 : i32
    %jit3A_698 = arith.constant 0 : i32
    %select_n3A_699 = arith.select %gt3A_694, %add3A_697, %jit3A_698 : i32
    %add3A_700 = arith.addi %add3A_677, %select_n3A_699 : i32
    %le3A_701 = vector.broadcast %add3A_700 : i32 to vector<1x16xi32>
    %le3A_702 = arith.cmpi sle, %le3A_701, %sub3A_634 : vector<1x16xi32>
    %jit3A_703 = arith.constant 1 : i32
    %jit3A_704 = arith.constant 0 : i32
    %broadcast_in_dim3A_705 = vector.broadcast %jit3A_703 : i32 to vector<1x16xi32>
    %broadcast_in_dim3A_706 = vector.broadcast %jit3A_704 : i32 to vector<1x16xi32>
    %select_n3A_707 = arith.select %le3A_702, %broadcast_in_dim3A_705, %broadcast_in_dim3A_706 : vector<1x16xi1>, vector<1x16xi32>
    %add3A_708 = arith.addi %add3A_685, %select_n3A_707 : vector<1x16xi32>
    %div3A_709 = arith.constant 512 : i32
    %div3A_710 = arith.divsi %add3A_77, %div3A_709 : i32
    %add3A_711 = arith.addi %add3A_77, %convert_element_type3A_105 : i32
    %sub3A_712 = arith.constant 1 : i32
    %sub3A_713 = arith.subi %add3A_711, %sub3A_712 : i32
    %div3A_714 = arith.constant 512 : i32
    %div3A_715 = arith.divsi %sub3A_713, %div3A_714 : i32
    %gt3A_716 = arith.constant 0 : i32
    %gt3A_717 = arith.cmpi sgt, %convert_element_type3A_105, %gt3A_716 : i32
    %sub3A_718 = arith.subi %div3A_715, %div3A_710 : i32
    %add3A_719 = arith.constant 1 : i32
    %add3A_720 = arith.addi %sub3A_718, %add3A_719 : i32
    %jit3A_721 = arith.constant 0 : i32
    %select_n3A_722 = arith.select %gt3A_717, %add3A_720, %jit3A_721 : i32
    %add3A_723 = arith.addi %add3A_700, %select_n3A_722 : i32
    %le3A_724 = vector.broadcast %add3A_723 : i32 to vector<1x16xi32>
    %le3A_725 = arith.cmpi sle, %le3A_724, %sub3A_634 : vector<1x16xi32>
    %jit3A_726 = arith.constant 1 : i32
    %jit3A_727 = arith.constant 0 : i32
    %broadcast_in_dim3A_728 = vector.broadcast %jit3A_726 : i32 to vector<1x16xi32>
    %broadcast_in_dim3A_729 = vector.broadcast %jit3A_727 : i32 to vector<1x16xi32>
    %select_n3A_730 = arith.select %le3A_725, %broadcast_in_dim3A_728, %broadcast_in_dim3A_729 : vector<1x16xi1>, vector<1x16xi32>
    %add3A_731 = arith.addi %add3A_708, %select_n3A_730 : vector<1x16xi32>
    %div3A_732 = arith.constant 512 : i32
    %div3A_733 = arith.divsi %add3A_106, %div3A_732 : i32
    %add3A_734 = arith.addi %add3A_106, %convert_element_type3A_134 : i32
    %sub3A_735 = arith.constant 1 : i32
    %sub3A_736 = arith.subi %add3A_734, %sub3A_735 : i32
    %div3A_737 = arith.constant 512 : i32
    %div3A_738 = arith.divsi %sub3A_736, %div3A_737 : i32
    %gt3A_739 = arith.constant 0 : i32
    %gt3A_740 = arith.cmpi sgt, %convert_element_type3A_134, %gt3A_739 : i32
    %sub3A_741 = arith.subi %div3A_738, %div3A_733 : i32
    %add3A_742 = arith.constant 1 : i32
    %add3A_743 = arith.addi %sub3A_741, %add3A_742 : i32
    %jit3A_744 = arith.constant 0 : i32
    %select_n3A_745 = arith.select %gt3A_740, %add3A_743, %jit3A_744 : i32
    %add3A_746 = arith.addi %add3A_723, %select_n3A_745 : i32
    %le3A_747 = vector.broadcast %add3A_746 : i32 to vector<1x16xi32>
    %le3A_748 = arith.cmpi sle, %le3A_747, %sub3A_634 : vector<1x16xi32>
    %jit3A_749 = arith.constant 1 : i32
    %jit3A_750 = arith.constant 0 : i32
    %broadcast_in_dim3A_751 = vector.broadcast %jit3A_749 : i32 to vector<1x16xi32>
    %broadcast_in_dim3A_752 = vector.broadcast %jit3A_750 : i32 to vector<1x16xi32>
    %select_n3A_753 = arith.select %le3A_748, %broadcast_in_dim3A_751, %broadcast_in_dim3A_752 : vector<1x16xi1>, vector<1x16xi32>
    %add3A_754 = arith.addi %add3A_731, %select_n3A_753 : vector<1x16xi32>
    %div3A_755 = arith.constant 512 : i32
    %div3A_756 = arith.divsi %add3A_135, %div3A_755 : i32
    %add3A_757 = arith.addi %add3A_135, %convert_element_type3A_163 : i32
    %sub3A_758 = arith.constant 1 : i32
    %sub3A_759 = arith.subi %add3A_757, %sub3A_758 : i32
    %div3A_760 = arith.constant 512 : i32
    %div3A_761 = arith.divsi %sub3A_759, %div3A_760 : i32
    %gt3A_762 = arith.constant 0 : i32
    %gt3A_763 = arith.cmpi sgt, %convert_element_type3A_163, %gt3A_762 : i32
    %sub3A_764 = arith.subi %div3A_761, %div3A_756 : i32
    %add3A_765 = arith.constant 1 : i32
    %add3A_766 = arith.addi %sub3A_764, %add3A_765 : i32
    %jit3A_767 = arith.constant 0 : i32
    %select_n3A_768 = arith.select %gt3A_763, %add3A_766, %jit3A_767 : i32
    %add3A_769 = arith.addi %add3A_746, %select_n3A_768 : i32
    %le3A_770 = vector.broadcast %add3A_769 : i32 to vector<1x16xi32>
    %le3A_771 = arith.cmpi sle, %le3A_770, %sub3A_634 : vector<1x16xi32>
    %jit3A_772 = arith.constant 1 : i32
    %jit3A_773 = arith.constant 0 : i32
    %broadcast_in_dim3A_774 = vector.broadcast %jit3A_772 : i32 to vector<1x16xi32>
    %broadcast_in_dim3A_775 = vector.broadcast %jit3A_773 : i32 to vector<1x16xi32>
    %select_n3A_776 = arith.select %le3A_771, %broadcast_in_dim3A_774, %broadcast_in_dim3A_775 : vector<1x16xi1>, vector<1x16xi32>
    %add3A_777 = arith.addi %add3A_754, %select_n3A_776 : vector<1x16xi32>
    %div3A_778 = arith.constant 512 : i32
    %div3A_779 = arith.divsi %add3A_164, %div3A_778 : i32
    %add3A_780 = arith.addi %add3A_164, %convert_element_type3A_192 : i32
    %sub3A_781 = arith.constant 1 : i32
    %sub3A_782 = arith.subi %add3A_780, %sub3A_781 : i32
    %div3A_783 = arith.constant 512 : i32
    %div3A_784 = arith.divsi %sub3A_782, %div3A_783 : i32
    %gt3A_785 = arith.constant 0 : i32
    %gt3A_786 = arith.cmpi sgt, %convert_element_type3A_192, %gt3A_785 : i32
    %sub3A_787 = arith.subi %div3A_784, %div3A_779 : i32
    %add3A_788 = arith.constant 1 : i32
    %add3A_789 = arith.addi %sub3A_787, %add3A_788 : i32
    %jit3A_790 = arith.constant 0 : i32
    %select_n3A_791 = arith.select %gt3A_786, %add3A_789, %jit3A_790 : i32
    %add3A_792 = arith.addi %add3A_769, %select_n3A_791 : i32
    %le3A_793 = vector.broadcast %add3A_792 : i32 to vector<1x16xi32>
    %le3A_794 = arith.cmpi sle, %le3A_793, %sub3A_634 : vector<1x16xi32>
    %jit3A_795 = arith.constant 1 : i32
    %jit3A_796 = arith.constant 0 : i32
    %broadcast_in_dim3A_797 = vector.broadcast %jit3A_795 : i32 to vector<1x16xi32>
    %broadcast_in_dim3A_798 = vector.broadcast %jit3A_796 : i32 to vector<1x16xi32>
    %select_n3A_799 = arith.select %le3A_794, %broadcast_in_dim3A_797, %broadcast_in_dim3A_798 : vector<1x16xi1>, vector<1x16xi32>
    %add3A_800 = arith.addi %add3A_777, %select_n3A_799 : vector<1x16xi32>
    %div3A_801 = arith.constant 512 : i32
    %div3A_802 = arith.divsi %add3A_193, %div3A_801 : i32
    %add3A_803 = arith.addi %add3A_193, %convert_element_type3A_221 : i32
    %sub3A_804 = arith.constant 1 : i32
    %sub3A_805 = arith.subi %add3A_803, %sub3A_804 : i32
    %div3A_806 = arith.constant 512 : i32
    %div3A_807 = arith.divsi %sub3A_805, %div3A_806 : i32
    %gt3A_808 = arith.constant 0 : i32
    %gt3A_809 = arith.cmpi sgt, %convert_element_type3A_221, %gt3A_808 : i32
    %sub3A_810 = arith.subi %div3A_807, %div3A_802 : i32
    %add3A_811 = arith.constant 1 : i32
    %add3A_812 = arith.addi %sub3A_810, %add3A_811 : i32
    %jit3A_813 = arith.constant 0 : i32
    %select_n3A_814 = arith.select %gt3A_809, %add3A_812, %jit3A_813 : i32
    %add3A_815 = arith.addi %add3A_792, %select_n3A_814 : i32
    %broadcast_in_dim3A_816 = arith.constant 0 : i32
    %broadcast_in_dim3A_817 = vector.broadcast %broadcast_in_dim3A_816 : i32 to vector<1x16xi32>
    %eq3A_818 = arith.constant 0 : i32
    %eq3A_819 = vector.broadcast %eq3A_818 : i32 to vector<1x16xi32>
    %eq3A_820 = arith.cmpi eq, %add3A_800, %eq3A_819 : vector<1x16xi32>
    %sub3A_821 = arith.constant 0 : i32
    %sub3A_822 = vector.broadcast %sub3A_821 : i32 to vector<1x16xi32>
    %sub3A_823 = arith.subi %sub3A_634, %sub3A_822 : vector<1x16xi32>
    %add3A_824 = vector.broadcast %div3A_639 : i32 to vector<1x16xi32>
    %add3A_825 = arith.addi %add3A_824, %sub3A_823 : vector<1x16xi32>
    %select_n3A_826 = arith.select %eq3A_820, %add3A_825, %broadcast_in_dim3A_817 : vector<1x16xi1>, vector<1x16xi32>
    %add3A_827 = arith.constant 0 : i32
    %add3A_828 = arith.addi %add3A_827, %select_n3A_652 : i32
    %eq3A_829 = arith.constant 1 : i32
    %eq3A_830 = vector.broadcast %eq3A_829 : i32 to vector<1x16xi32>
    %eq3A_831 = arith.cmpi eq, %add3A_800, %eq3A_830 : vector<1x16xi32>
    %sub3A_832 = vector.broadcast %add3A_828 : i32 to vector<1x16xi32>
    %sub3A_833 = arith.subi %sub3A_634, %sub3A_832 : vector<1x16xi32>
    %add3A_834 = vector.broadcast %div3A_664 : i32 to vector<1x16xi32>
    %add3A_835 = arith.addi %add3A_834, %sub3A_833 : vector<1x16xi32>
    %select_n3A_836 = arith.select %eq3A_831, %add3A_835, %select_n3A_826 : vector<1x16xi1>, vector<1x16xi32>
    %add3A_837 = arith.addi %add3A_828, %select_n3A_676 : i32
    %eq3A_838 = arith.constant 2 : i32
    %eq3A_839 = vector.broadcast %eq3A_838 : i32 to vector<1x16xi32>
    %eq3A_840 = arith.cmpi eq, %add3A_800, %eq3A_839 : vector<1x16xi32>
    %sub3A_841 = vector.broadcast %add3A_837 : i32 to vector<1x16xi32>
    %sub3A_842 = arith.subi %sub3A_634, %sub3A_841 : vector<1x16xi32>
    %add3A_843 = vector.broadcast %div3A_687 : i32 to vector<1x16xi32>
    %add3A_844 = arith.addi %add3A_843, %sub3A_842 : vector<1x16xi32>
    %select_n3A_845 = arith.select %eq3A_840, %add3A_844, %select_n3A_836 : vector<1x16xi1>, vector<1x16xi32>
    %add3A_846 = arith.addi %add3A_837, %select_n3A_699 : i32
    %eq3A_847 = arith.constant 3 : i32
    %eq3A_848 = vector.broadcast %eq3A_847 : i32 to vector<1x16xi32>
    %eq3A_849 = arith.cmpi eq, %add3A_800, %eq3A_848 : vector<1x16xi32>
    %sub3A_850 = vector.broadcast %add3A_846 : i32 to vector<1x16xi32>
    %sub3A_851 = arith.subi %sub3A_634, %sub3A_850 : vector<1x16xi32>
    %add3A_852 = vector.broadcast %div3A_710 : i32 to vector<1x16xi32>
    %add3A_853 = arith.addi %add3A_852, %sub3A_851 : vector<1x16xi32>
    %select_n3A_854 = arith.select %eq3A_849, %add3A_853, %select_n3A_845 : vector<1x16xi1>, vector<1x16xi32>
    %add3A_855 = arith.addi %add3A_846, %select_n3A_722 : i32
    %eq3A_856 = arith.constant 4 : i32
    %eq3A_857 = vector.broadcast %eq3A_856 : i32 to vector<1x16xi32>
    %eq3A_858 = arith.cmpi eq, %add3A_800, %eq3A_857 : vector<1x16xi32>
    %sub3A_859 = vector.broadcast %add3A_855 : i32 to vector<1x16xi32>
    %sub3A_860 = arith.subi %sub3A_634, %sub3A_859 : vector<1x16xi32>
    %add3A_861 = vector.broadcast %div3A_733 : i32 to vector<1x16xi32>
    %add3A_862 = arith.addi %add3A_861, %sub3A_860 : vector<1x16xi32>
    %select_n3A_863 = arith.select %eq3A_858, %add3A_862, %select_n3A_854 : vector<1x16xi1>, vector<1x16xi32>
    %add3A_864 = arith.addi %add3A_855, %select_n3A_745 : i32
    %eq3A_865 = arith.constant 5 : i32
    %eq3A_866 = vector.broadcast %eq3A_865 : i32 to vector<1x16xi32>
    %eq3A_867 = arith.cmpi eq, %add3A_800, %eq3A_866 : vector<1x16xi32>
    %sub3A_868 = vector.broadcast %add3A_864 : i32 to vector<1x16xi32>
    %sub3A_869 = arith.subi %sub3A_634, %sub3A_868 : vector<1x16xi32>
    %add3A_870 = vector.broadcast %div3A_756 : i32 to vector<1x16xi32>
    %add3A_871 = arith.addi %add3A_870, %sub3A_869 : vector<1x16xi32>
    %select_n3A_872 = arith.select %eq3A_867, %add3A_871, %select_n3A_863 : vector<1x16xi1>, vector<1x16xi32>
    %add3A_873 = arith.addi %add3A_864, %select_n3A_768 : i32
    %eq3A_874 = arith.constant 6 : i32
    %eq3A_875 = vector.broadcast %eq3A_874 : i32 to vector<1x16xi32>
    %eq3A_876 = arith.cmpi eq, %add3A_800, %eq3A_875 : vector<1x16xi32>
    %sub3A_877 = vector.broadcast %add3A_873 : i32 to vector<1x16xi32>
    %sub3A_878 = arith.subi %sub3A_634, %sub3A_877 : vector<1x16xi32>
    %add3A_879 = vector.broadcast %div3A_779 : i32 to vector<1x16xi32>
    %add3A_880 = arith.addi %add3A_879, %sub3A_878 : vector<1x16xi32>
    %select_n3A_881 = arith.select %eq3A_876, %add3A_880, %select_n3A_872 : vector<1x16xi1>, vector<1x16xi32>
    %add3A_882 = arith.addi %add3A_873, %select_n3A_791 : i32
    %eq3A_883 = arith.constant 7 : i32
    %eq3A_884 = vector.broadcast %eq3A_883 : i32 to vector<1x16xi32>
    %eq3A_885 = arith.cmpi eq, %add3A_800, %eq3A_884 : vector<1x16xi32>
    %sub3A_886 = vector.broadcast %add3A_882 : i32 to vector<1x16xi32>
    %sub3A_887 = arith.subi %sub3A_634, %sub3A_886 : vector<1x16xi32>
    %add3A_888 = vector.broadcast %div3A_802 : i32 to vector<1x16xi32>
    %add3A_889 = arith.addi %add3A_888, %sub3A_887 : vector<1x16xi32>
    %select_n3A_890 = arith.select %eq3A_885, %add3A_889, %select_n3A_881 : vector<1x16xi1>, vector<1x16xi32>
    %lt3A_891 = vector.broadcast %add3A_815 : i32 to vector<1x16xi32>
    %lt3A_892 = arith.cmpi slt, %sub3A_634, %lt3A_891 : vector<1x16xi32>
    %jit3A_893 = arith.constant 7 : i32
    %broadcast_in_dim3A_894 = vector.broadcast %jit3A_893 : i32 to vector<1x16xi32>
    %select_n3A_895 = arith.select %lt3A_892, %select_n3A_890, %broadcast_in_dim3A_894 : vector<1x16xi1>, vector<1x16xi32>
    %eq3A_896 = arith.constant 0 : i32
    %eq3A_897 = vector.broadcast %eq3A_896 : i32 to vector<1x16xi32>
    %eq3A_898 = arith.cmpi eq, %iota3A_237, %eq3A_897 : vector<1x16xi32>
    %ne3A = arith.cmpi ne, %select_n3A_625, %select_n3A_895 : vector<1x16xi32>
    %or3A = arith.ori %eq3A_898, %ne3A : vector<1x16xi1>
    %convert_element_type3A_899 = arith.extui %or3A : vector<1x16xi1> to vector<1x16xi32>
    %concatenate3A = tpu.concatenate %select_n3A_625, %add3A_398, %select_n3A_628, %select_n3A_631, %convert_element_type3A_899 in 0 : vector<1x16xi32>, vector<1x16xi32>, vector<1x16xi32>, vector<1x16xi32>, vector<1x16xi32> -> vector<5x16xi32>
    %swap3A_900 = arith.constant 0 : index
    %swap3A_901 = arith.constant 0 : index
    %swap3A_902 = vector.load %arg2[%swap3A_900, %swap3A_901] : memref<5x16xi32, #tpu.memory_space<vmem>>, vector<5x16xi32>
    tpu.vector_store %arg2[%swap3A_900, %swap3A_901], %concatenate3A {strides = array<i32>} : memref<5x16xi32, #tpu.memory_space<vmem>>, vector<5x16xi32>,
    return
  }
}

module attributes {stable_mosaic.version = 14 : i64} {
  func.func @_mm_body(%arg0: i32, %arg1: memref<5x16xi32, #tpu.memory_space<smem>>, %arg2: memref<512x768xf32, #tpu.memory_space<vmem>>, %arg3: memref<1x768x768xf32, #tpu.memory_space<vmem>>, %arg4: memref<1x1x768xf32, #tpu.memory_space<vmem>>, %arg5: memref<512x768xf32, #tpu.memory_space<vmem>>) attributes {dimension_semantics = [#tpu.dimension_semantics<arbitrary>], iteration_bounds = array<i64: 15>, scalar_prefetch = 1 : i64, scratch_operands = 0 : i64, tpu.core_type = #tpu.core_type<tc>, window_params = [{transform_indices = @transform_0, window_bounds = array<i64: 512, 768>}, {transform_indices = @transform_1, window_bounds = array<i64: 1, 768, 768>}, {transform_indices = @transform_2, window_bounds = array<i64: 1, 1, 768>}, {transform_indices = @transform_3, window_bounds = array<i64: 512, 768>}]} {
    %get3A = arith.constant 0 : index
    %get3A_0 = arith.index_cast %arg0 : i32 to index
    %get3A_1 = memref.load %arg1[%get3A, %get3A_0] : memref<5x16xi32, #tpu.memory_space<smem>>
    %get3A_2 = arith.constant 2 : index
    %get3A_3 = arith.index_cast %arg0 : i32 to index
    %get3A_4 = memref.load %arg1[%get3A_2, %get3A_3] : memref<5x16xi32, #tpu.memory_space<smem>>
    %get3A_5 = arith.constant 3 : index
    %get3A_6 = arith.index_cast %arg0 : i32 to index
    %get3A_7 = memref.load %arg1[%get3A_5, %get3A_6] : memref<5x16xi32, #tpu.memory_space<smem>>
    %get3A_8 = arith.constant 0 : index
    %get3A_9 = arith.constant 0 : index
    %get3A_10 = vector.load %arg2[%get3A_8, %get3A_9] : memref<512x768xf32, #tpu.memory_space<vmem>>, vector<512x768xf32>
    %convert_element_type3A = arith.truncf %get3A_10 : vector<512x768xf32> to vector<512x768xbf16>
    %get3A_11 = arith.constant 0 : index
    %get3A_12 = arith.constant 0 : index
    %get3A_13 = arith.constant 0 : index
    %get3A_14 = vector.load %arg3[%get3A_11, %get3A_12, %get3A_13] : memref<1x768x768xf32, #tpu.memory_space<vmem>>, vector<1x768x768xf32>
    %get3A_15 = vector.shape_cast %get3A_14 : vector<1x768x768xf32> to vector<768x768xf32>
    %convert_element_type3A_16 = arith.truncf %get3A_15 : vector<768x768xf32> to vector<768x768xbf16>
    %dot_general3A = arith.constant dense<0.000000e+00> : vector<512x768xf32>
    %dot_general3A_17 = tpu.matmul %convert_element_type3A, %convert_element_type3A_16, %dot_general3A {dimension_numbers = #tpu.dot_dimension_numbers<[1], [0], [0], [1], [0, 0, 1, 1], [], []>, transpose_lhs_hint = false} : vector<512x768xbf16>, vector<768x768xbf16>, vector<512x768xf32> -> vector<512x768xf32>
    %mul3A = arith.constant 512 : i32
    %mul3A_18 = arith.muli %get3A_1, %mul3A : i32
    %iota3A = tpu.iota {dimensions = array<i32: 0>} : vector<512x1xi32>
    %add3A = vector.broadcast %mul3A_18 : i32 to vector<512x1xi32>
    %add3A_19 = arith.addi %add3A, %iota3A : vector<512x1xi32>
    %ge3A = vector.broadcast %get3A_4 : i32 to vector<512x1xi32>
    %ge3A_20 = arith.cmpi sge, %add3A_19, %ge3A : vector<512x1xi32>
    %lt3A = vector.broadcast %get3A_7 : i32 to vector<512x1xi32>
    %lt3A_21 = arith.cmpi slt, %add3A_19, %lt3A : vector<512x1xi32>
    %and3A = arith.andi %ge3A_20, %lt3A_21 : vector<512x1xi1>
    %get3A_22 = arith.constant 0 : index
    %get3A_23 = arith.constant 0 : index
    %get3A_24 = arith.constant 0 : index
    %get3A_25 = vector.load %arg4[%get3A_22, %get3A_23, %get3A_24] : memref<1x1x768xf32, #tpu.memory_space<vmem>>, vector<1x1x768xf32>
    %get3A_26 = vector.shape_cast %get3A_25 : vector<1x1x768xf32> to vector<1x768xf32>
    %add3A_27 = vector.broadcast %get3A_26 : vector<1x768xf32> to vector<512x768xf32>
    %add3A_28 = arith.addf %dot_general3A_17, %add3A_27 : vector<512x768xf32>
    %jit3A = arith.constant 0.000000e+00 : f32
    %broadcast_in_dim3A = vector.shape_cast %and3A : vector<512x1xi1> to vector<512x1xi1>
    %broadcast_in_dim3A_29 = vector.broadcast %broadcast_in_dim3A : vector<512x1xi1> to vector<512x768xi1>
    %broadcast_in_dim3A_30 = vector.broadcast %jit3A : f32 to vector<512x768xf32>
    %select_n3A = arith.select %broadcast_in_dim3A_29, %add3A_28, %broadcast_in_dim3A_30 : vector<512x768xi1>, vector<512x768xf32>
    %get3A_31 = arith.constant 4 : index
    %get3A_32 = arith.index_cast %arg0 : i32 to index
    %get3A_33 = memref.load %arg1[%get3A_31, %get3A_32] : memref<5x16xi32, #tpu.memory_space<smem>>
    %eq3A = arith.constant 1 : i32
    %eq3A_34 = arith.cmpi eq, %get3A_33, %eq3A : i32
    %convert_element_type3A_35 = arith.extui %eq3A_34 : i1 to i32
    %cond3A = arith.constant 0 : i32
    %cond3A_36 = arith.cmpi ne, %convert_element_type3A_35, %cond3A : i32
    scf.if %cond3A_36 {
      %swap3A = arith.constant 0 : index
      %swap3A_45 = arith.constant 0 : index
      %swap3A_46 = vector.load %arg5[%swap3A, %swap3A_45] : memref<512x768xf32, #tpu.memory_space<vmem>>, vector<512x768xf32>
      tpu.vector_store %arg5[%swap3A, %swap3A_45], %select_n3A {strides = array<i32>} : memref<512x768xf32, #tpu.memory_space<vmem>>, vector<512x768xf32>,
    } else {
    }
    %get3A_37 = arith.constant 4 : index
    %get3A_38 = arith.index_cast %arg0 : i32 to index
    %get3A_39 = memref.load %arg1[%get3A_37, %get3A_38] : memref<5x16xi32, #tpu.memory_space<smem>>
    %eq3A_40 = arith.constant 0 : i32
    %eq3A_41 = arith.cmpi eq, %get3A_39, %eq3A_40 : i32
    %convert_element_type3A_42 = arith.extui %eq3A_41 : i1 to i32
    %cond3A_43 = arith.constant 0 : i32
    %cond3A_44 = arith.cmpi ne, %convert_element_type3A_42, %cond3A_43 : i32
    scf.if %cond3A_44 {
      %get3A_45 = arith.constant 0 : index
      %get3A_46 = arith.constant 0 : index
      %get3A_47 = vector.load %arg5[%get3A_45, %get3A_46] : memref<512x768xf32, #tpu.memory_space<vmem>>, vector<512x768xf32>
      %add3A_48 = arith.addf %get3A_47, %select_n3A : vector<512x768xf32>
      %swap3A = arith.constant 0 : index
      %swap3A_49 = arith.constant 0 : index
      %swap3A_50 = vector.load %arg5[%swap3A, %swap3A_49] : memref<512x768xf32, #tpu.memory_space<vmem>>, vector<512x768xf32>
      tpu.vector_store %arg5[%swap3A, %swap3A_49], %add3A_48 {strides = array<i32>} : memref<512x768xf32, #tpu.memory_space<vmem>>, vector<512x768xf32>,
    } else {
    }
    return
  }
  func.func @transform_0(%arg0: i32, %arg1: memref<5x16xi32, #tpu.memory_space<smem>>) -> (i32, i32) {
    %get3A = arith.constant 0 : index
    %get3A_0 = arith.index_cast %arg0 : i32 to index
    %get3A_1 = memref.load %arg1[%get3A, %get3A_0] : memref<5x16xi32, #tpu.memory_space<smem>>
    %c0_i32 = arith.constant 0 : i32
    %c0_i32_2 = arith.constant 0 : i32
    return %get3A_1, %c0_i32 : i32, i32
  }
  func.func @transform_1(%arg0: i32, %arg1: memref<5x16xi32, #tpu.memory_space<smem>>) -> (i32, i32, i32) {
    %get3A = arith.constant 1 : index
    %get3A_0 = arith.index_cast %arg0 : i32 to index
    %get3A_1 = memref.load %arg1[%get3A, %get3A_0] : memref<5x16xi32, #tpu.memory_space<smem>>
    %c0_i32 = arith.constant 0 : i32
    %c0_i32_2 = arith.constant 0 : i32
    %c0_i32_3 = arith.constant 0 : i32
    return %get3A_1, %c0_i32, %c0_i32_2 : i32, i32, i32
  }
  func.func @transform_2(%arg0: i32, %arg1: memref<5x16xi32, #tpu.memory_space<smem>>) -> (i32, i32, i32) {
    %get3A = arith.constant 1 : index
    %get3A_0 = arith.index_cast %arg0 : i32 to index
    %get3A_1 = memref.load %arg1[%get3A, %get3A_0] : memref<5x16xi32, #tpu.memory_space<smem>>
    %c0_i32 = arith.constant 0 : i32
    %c0_i32_2 = arith.constant 0 : i32
    %c0_i32_3 = arith.constant 0 : i32
    return %get3A_1, %c0_i32, %c0_i32_2 : i32, i32, i32
  }
  func.func @transform_3(%arg0: i32, %arg1: memref<5x16xi32, #tpu.memory_space<smem>>) -> (i32, i32) {
    %get3A = arith.constant 0 : index
    %get3A_0 = arith.index_cast %arg0 : i32 to index
    %get3A_1 = memref.load %arg1[%get3A, %get3A_0] : memref<5x16xi32, #tpu.memory_space<smem>>
    %c0_i32 = arith.constant 0 : i32
    %c0_i32_2 = arith.constant 0 : i32
    return %get3A_1, %c0_i32 : i32, i32
  }
}

</mosaic_0001>

<sc_bundles>
// kernel: kernel.6.cloned.1.call-start
scs
__scs_entry_jumppad:
0x0: {  	(pc) =	sbr.rel $0x88, $3  }
0x1: {  	(tag) =	ssettag $0x0;
	lr =	simm.s32 $0x1  }
0x2: {  	[smem:$0x3F9D] =	sst lr;
	_ =	strace $0xD0000000  }
0x3: {  	_ = 	snop  }
0x4: {  	_ = 	snop  }
0x5: {  	_ = 	snop  }
0x6: {  	_ = 	snop  }
0x7: {  	_ = 	snop  }
__scs_overlays_trampoline_lowered:
0x8: {  	[smem:$0x3FAC] =	sst s0  }
0x9: {  	[smem:$0x3FAD] =	sst s1  }
0xa: {  	[smem:$0x3FAE] =	sst s2  }
0xb: {  	[smem:$0x3FAF] =	sst s3  }
0xc: {  	[smem:$0x3FB0] =	sst s4  }
0xd: {  	[smem:$0x3FB1] =	sst s5  }
0xe: {  	[smem:$0x3FB2] =	sst s6  }
0xf: {  	[smem:$0x3FB3] =	sst s7  }
0x10: {  	[smem:$0x3FB4] =	sst s8  }
0x11: {  	[smem:$0x3FB5] =	sst s9;
	s0 =	simm.s32 @!p0 $0x0  }
0x12: {  	s1 =	sld [smem:$0x3F9B];
	s0 =	simm.s32 @p0 $0x1  }
0x13: {  	[smem:$0x3FB6] =	sst s0;
	s0 =	simm.s32 @!p1 $0x0  }
0x14: {  	s2 =	sld [smem:$0x3F9A];
	s0 =	simm.s32 @p1 $0x1  }
0x15: {  	[smem:$0x3FB7] =	sst s0;
	s0 =	simm.s32 @!p2 $0x0  }
0x16: {  	s3 =	sld [smem:$0x3FDB];
	s0 =	simm.s32 @p2 $0x1  }
0x17: {  	s4 =	simm.s32 $0x1BF5;
	[smem:$0x3FB9] =	sst s0  }
0x18: {  	s0 =	sld [smem:$0x3F9C];
	_ =	swait.ge [sflag:s4], $0x0  }
0x19: {  	s7 =	sld [smem:$0x3F9D]  }
0x1a: {  	s8 =	sadd.s32 $0xFFFFE003, lr  }
0x1b: {  	s9 =	sadd.s32 $0xFFFFFEF7, lr;
	s5 =	simm.s32 $0xFFFFFFFF;
	p2 =	slt.u32 s8, $0xFFFFF086  }
0x1c: {  	p1 =	slt.u32 s9, $0xF7A;
	s5 =	simm.s32 @!p2 $0x0  }
0x1d: {  	s5 =	simm.s32 @p1 $0x1;
	p0 =	seq.s32 s7, s2  }
0x1e: {  	s7 =	smul.u32 @!p0 $0xF7A, s2;
	p2 =	seq.s32 @!p0 s5, $0x0  }
0x1f: {  	s9 =	smul.u32 $0xF7A, s1;
	s8 =	simm.s32 @!p0 $0x1BF5;
	p2 =	por !p2, p0  }
0x20: {  	[sflag:s8] =	ssyncset.s32 @!p0 $0xFFFFF086;
	s6 =	sadd.s32 @!p0 s3, s7;
	s7 =	simm.s32 @!p0 $0x108  }
0x21: {  	s3 =	sadd.s32 s3, s9;
	s6 =	sadd.s32 @!p0 $0x88, s6;
	s7 =	simm.s32 @p2 $0x1082  }
0x22: {  	[simem:s7], [sflag:s8] =	dma.local @!p0 [hbm:s6], $0xF7A  }
0x23: {  	s9 =	sor.u32 $0xD0000000, s2;
	s6 =	simm.s32 $0x108;
	_ =	swait.ge @!p0 [sflag:s8], $0x0  }
0x24: {  	s3 =	sadd.s32 $0x88, s3;
	s6 =	simm.s32 @!p1 $0x1082;
	[sflag:s4] =	ssyncset.s32 $0xFFFFF086  }
0x25: {  	[simem:s6], [sflag:s4] =	dma.local [hbm:s3], $0xF7A  }
0x26: {  	[smem:$0x3F9D] =	sst s1;
	(tag) =	ssettag s2;
	_ =	strace s9  }
0x27: {  	s1 =	sld [smem:$0x3FAD]  }
0x28: {  	s2 =	sld [smem:$0x3FAE]  }
0x29: {  	s4 =	sld [smem:$0x3FB0]  }
0x2a: {  	p0 =	seq.s32 s5, $0x0;
	s5 =	sld [smem:$0x3FB1]  }
0x2b: {  	s6 =	sld [smem:$0x3FB2]  }
0x2c: {  	s7 =	sld [smem:$0x3FB3]  }
0x2d: {  	s3 =	simm.s32 $0x108;
	s8 =	sld [smem:$0x3FB4]  }
0x2e: {  	s3 =	simm.s32 @!p0 $0x1082;
	s9 =	sld [smem:$0x3FB5]  }
0x2f: {  	lr =	sadd.s32 s0, s3;
	s0 =	sld [smem:$0x3FAC]  }
0x30: {  	s3 =	sld [smem:$0x3FAF]  }
0x31: {  	[smem:$0x3FB8] =	sst s10  }
0x32: {  	s10 =	sld [smem:$0x3FB6];
	_ =	sdelay $0x3  }
0x33: {  	p0 =	seq.s32 s10, $0x1;
	s10 =	sld [smem:$0x3FB8];
	_ =	sdelay $0x3  }
0x34: {  	[smem:$0x3FB8] =	sst s10  }
0x35: {  	s10 =	sld [smem:$0x3FB7];
	_ =	sdelay $0x3  }
0x36: {  	p1 =	seq.s32 s10, $0x1;
	s10 =	sld [smem:$0x3FB8];
	_ =	sdelay $0x3  }
0x37: {  	[smem:$0x3FB8] =	sst s10  }
0x38: {  	s10 =	sld [smem:$0x3FB9]  }
0x39: {  	_ = 	snop;
	(pc) =	sbr.ind lr, $3  }
0x3a: {  	_ = 	snop  }
0x3b: {  	_ = 	snop  }
0x3c: {  	p2 =	seq.s32 s10, $0x1;
	s10 =	sld [smem:$0x3FB8]  }
0x3d: {  	_ =	shalt  }
0x3e: {  	_ =	shalt  }
0x3f: {  	_ =	shalt  }
0x40: {  	_ =	shalt  }
0x41: {  	_ =	shalt  }
0x42: {  	_ =	shalt  }
0x43: {  	_ =	shalt  }
0x44: {  	_ =	shalt  }
0x45: {  	_ =	shalt  }
0x46: {  	_ =	shalt  }
0x47: {  	_ =	shalt  }
0x48: {  	_ =	shalt  }
0x49: {  	_ =	shalt  }
0x4a: {  	_ =	shalt  }
0x4b: {  	_ =	shalt  }
0x4c: {  	_ =	shalt  }
0x4d: {  	_ =	shalt  }
0x4e: {  	_ =	shalt  }
0x4f: {  	_ =	shalt  }
0x50: {  	_ =	shalt  }
0x51: {  	_ =	shalt  }
0x52: {  	_ =	shalt  }
0x53: {  	_ =	shalt  }
0x54: {  	_ =	shalt  }
0x55: {  	_ =	shalt  }
0x56: {  	_ =	shalt  }
0x57: {  	_ =	shalt  }
0x58: {  	_ =	shalt  }
0x59: {  	_ =	shalt  }
0x5a: {  	_ =	shalt  }
0x5b: {  	_ =	shalt  }
0x5c: {  	_ =	shalt  }
0x5d: {  	_ =	shalt  }
0x5e: {  	_ =	shalt  }
0x5f: {  	_ =	shalt  }
0x60: {  	_ =	shalt  }
0x61: {  	_ =	shalt  }
0x62: {  	_ =	shalt  }
0x63: {  	_ =	shalt  }
0x64: {  	_ =	shalt  }
0x65: {  	_ =	shalt  }
0x66: {  	_ =	shalt  }
0x67: {  	_ =	shalt  }
0x68: {  	_ =	shalt  }
0x69: {  	_ =	shalt  }
0x6a: {  	_ =	shalt  }
0x6b: {  	_ =	shalt  }
0x6c: {  	_ =	shalt  }
0x6d: {  	_ =	shalt  }
0x6e: {  	_ =	shalt  }
0x6f: {  	_ =	shalt  }
0x70: {  	_ =	shalt  }
0x71: {  	_ =	shalt  }
0x72: {  	_ =	shalt  }
0x73: {  	_ =	shalt  }
0x74: {  	_ =	shalt  }
0x75: {  	_ =	shalt  }
0x76: {  	_ =	shalt  }
0x77: {  	_ =	shalt  }
0x78: {  	_ =	shalt  }
0x79: {  	_ =	shalt  }
0x7a: {  	_ =	shalt  }
0x7b: {  	_ =	shalt  }
0x7c: {  	_ =	shalt  }
0x7d: {  	_ =	shalt  }
0x7e: {  	_ =	shalt  }
0x7f: {  	_ =	shalt  }
0x80: {  	_ =	shalt  }
0x81: {  	_ =	shalt  }
0x82: {  	_ =	shalt  }
0x83: {  	_ =	shalt  }
0x84: {  	_ =	shalt  }
0x85: {  	_ =	shalt  }
0x86: {  	_ =	shalt  }
0x87: {  	_ =	shalt  }
.Lfunc_end0:
.L_simem_size_0:
called_computation_lowered:
.L_overlay_start_0:
0x88: {  	s2 =	sld [smem:$0x3FD9]  }
0x89: {  	s3 =	sld [smem:$0x3FFE];
	_ =	sdelay $0x1  }
0x8a: {  	s1 =	srdreg.scid  }
0x8b: {  	s0 =	sand.u32 $0x1, s1  }
0x8c: {  	s17 =	sshll.u32 s0, $0xA;
	s2 =	sadd.s32 s3, s2  }
0x8d: {  	s2 =	sadd.s32 s2, s17  }
0x8e: {  	[smem:$0x3FC4] =	sst s2  }
0x8f: {  	_ = 	snop  }
0x90: {  	s2 =	sld [smem:$0x3FC9]  }
0x91: {  	s18 =	sld [smem:$0x3FD0];
	(tm) =	ssettm $0x1  }
0x92: {  	s4 =	sld [smem:$0x3FFB];
	_ =	sdelay $0x3  }
0x93: {  	_ =	strace s4  }
0x94: {  	s4 =	sld [smem:$0x3FFC];
	_ =	sdelay $0x3  }
0x95: {  	_ =	strace s4  }
0x96: {  	s4 =	sld [smem:$0x3FFD];
	_ =	sdelay $0x3  }
0x97: {  	_ =	strace s4  }
0x98: {  	_ =	strace $0x8FFFFFFF  }
0x99: {  	s19 =	sld [smem:$0x3FDB];
	_ =	sdelay $0x1  }
0x9a: {  	s5 =	simm.s32 $_scs_section_size  }
0x9b: {  	s6 =	simm.s32 $_size__tile_overlayer_lowered;
	s7 =	simm.s32 $_tile_overlayer_lowered  }
0x9c: {  	s22 =	simm.s32 $0x1BFF;
	s21 =	sshll.u32 s7, $0x1;
	s4 =	sadd.s32 s5, s19  }
0x9d: {  	s8 =	simm.s32 $0x0;
	s20 =	sshll.u32 s6, $0x1;
	s6 =	sadd.s32 s21, s4  }
0x9e: {  	[timem:s8], [sflag:s22] =	dma.local [hbm:s6], s20  }
0x9f: {  	_ =	swait.ge [sflag:s22], s20  }
0xa0: {  	s5 =	ssub.s32 $0x0, s20;
	[sflag:s22] =	ssyncset.done $0x0  }
0xa1: {  	[sflag:s22] =	ssyncadd.s32 s5;
	_ =	sdelay $0x1  }
0xa2: {  	s23 =	simm.s32 $0x1B8B  }
0xa3: {  	_ =	swait.ge [sflag:s23], $0x1  }
0xa4: {  	[sflag:s23] =	ssyncset.done $0x0  }
0xa5: {  	s25 =	simm.s32 $0x1B8E;
	s24 =	sld [smem:$0x3FFE];
	[sflag:s23] =	ssyncadd.s32 $0xFFFFFFFF  }
0xa6: {  	s26 =	simm.s32 $execute0_lowered;
	[smem:$0x3FD2] =	sst s25  }
0xa7: {  	s6 =	sshll.u32 s26, $0x1;
	_ =	strace $0x80000046;
	[dreg:$0x1] =	wrdreg $0xFFFFFFFF  }
0xa8: {  	s28 =	simm.s32 $_size_execute0_lowered;
	s4 =	sadd.s32 s4, s6;
	[dreg:$0x0] =	wrdreg $0x0  }
0xa9: {  	s6 =	sshll.u32 s28, $0x1;
	[dreg:$0x2] =	wrdreg s4  }
0xaa: {  	[dreg:$0x3] =	wrdreg s6  }
0xab: {  	[dreg:$0x4] =	wrdreg $0xC0  }
0xac: {  	_ =	task [dreg:s8], $0x5FFFF  }
0xad: {  	[dreg:$0x1] =	wrdreg $0xFFFFFFFF  }
0xae: {  	[dreg:$0x0] =	wrdreg $0x60  }
0xaf: {  	[dreg:$0x2] =	wrdreg s2  }
0xb0: {  	[dreg:$0x3] =	wrdreg s24  }
0xb1: {  	[dreg:$0x4] =	wrdreg s18  }
0xb2: {  	[dreg:$0x5] =	wrdreg $0x9  }
0xb3: {  	_ =	task.clear_ibuf [dreg:s8], $0x6FFFF;
	_ =	strace $0x90000046  }
0xb4: {  	s29 =	simm.s32 $0x9;
	_ =	strace $0x80000048  }
0xb5: {  	_ =	swait.ge [sflag:s29], $0x1  }
0xb6: {  	[sflag:s29] =	ssyncadd.s32 $0xFFFFFFFF  }
0xb7: {  	_ =	strace $0x90000048  }
0xb8: {  	_ =	sfence  }
0xb9: {  	s30 =	sld [smem:$0x0];
	_ =	sdelay $0x2  }
0xba: {  	s31 =	sshll.u32 s1, $0xD;
	s1 =	sshrl.u32 s1, $0x2  }
0xbb: {  	s3 =	sand.u32 $0x4000, s31;
	s1 =	sadd.s32 s1, s30  }
0xbc: {  	s0 =	sor.u32 s3, s0;
	s1 =	sshll.u32 s1, $0x11  }
0xbd: {  	s0 =	sor.u32 s1, s0  }
0xbe: {  	s0 =	sadd.s32 $0x8F2B, s0  }
0xbf: {  	[sflag:s0] =	ssyncadd.remote.s32 $0x1  }
0xc0: {  	_ =	sfence.sel $0xFFFF  }
0xc1: {  	[dreg:$0x0] =	wrdreg $0xFFFFFFFF;
	(pc) =	sbr.abs _section_cstart, $3  }
0xc2: {  	[dreg:$0x1] =	wrdreg $0xFFFFFFFF  }
0xc3: {  	_ =	task.clear_ibuf [dreg:s8], $0x2FFFF;
	_ =	strace $0x9FFFFFFF  }
0xc4: {  	(tm) =	ssettm $0x7FFFFFFF  }
0xc5: {  	_ =	shalt  }
tec
execute0_lowered:
.L_overlay_start_1:
0x0: {  	(tag) =	ssettag $0x1  }
0x1: {  	s1 =	rddreg [dreg:$0x0]  }
0x2: {  	s2 =	srdreg.scid;
	s4 =	rddreg [dreg:$0x1]  }
0x3: {  	s3 =	simm.s32 $0x0;
	s5 =	sand.u32 $0x1, s2;
	s2 =	rddreg [dreg:$0x2]  }
0x4: {  	s23 =	simm.s32 $0x880;
	[smem:$0x7FF] =	sst s3  }
0x5: {  	s24 =	simm.s32 $0x1080;
	_ =	strace $0x80000047;
	[dreg:$0x6] =	wrdreg s23  }
0x6: {  	s25 =	simm.s32 $0x1880;
	[dreg:$0x7] =	wrdreg s24  }
0x7: {  	s0 =	stileid.u32;
	s26 =	simm.s32 $0x2080;
	[dreg:$0x8] =	wrdreg s25  }
0x8: {  	s6 =	sshll.u32 s0, $0x5;
	s0 =	simm.s32 $0x2880;
	[dreg:$0x9] =	wrdreg s26  }
0x9: {  	s8 =	simm.s32 $0x4880;
	[dreg:$0xa] =	wrdreg s0  }
0xa: {  	s9 =	simm.s32 $0x5080;
	[dreg:$0xe] =	wrdreg s8  }
0xb: {  	s10 =	simm.s32 $0x5880;
	[dreg:$0xf] =	wrdreg s9  }
0xc: {  	s11 =	simm.s32 $0x6080;
	[dreg:$0x10] =	wrdreg s10  }
0xd: {  	s12 =	simm.s32 $0x6880;
	[dreg:$0x11] =	wrdreg s11  }
0xe: {  	s13 =	simm.s32 $0x7080;
	[dreg:$0x12] =	wrdreg s12  }
0xf: {  	s14 =	simm.s32 $0x7880;
	[dreg:$0x13] =	wrdreg s13  }
0x10: {  	s15 =	simm.s32 $0x8080;
	[dreg:$0x14] =	wrdreg s14  }
0x11: {  	s16 =	simm.s32 $0x8880;
	s18 =	simm.s32 $0x9080;
	[dreg:$0x15] =	wrdreg s15  }
0x12: {  	s19 =	simm.s32 $0x9880;
	s21 =	simm.s32 $0xA080;
	[dreg:$0x16] =	wrdreg s16  }
0x13: {  	s22 =	simm.s32 $0xA880;
	s28 =	simm.s32 $0x16080;
	[dreg:$0x17] =	wrdreg s18  }
0x14: {  	s29 =	simm.s32 $0x16880;
	s30 =	simm.s32 $0x17080;
	[dreg:$0x18] =	wrdreg s19  }
0x15: {  	s31 =	simm.s32 $0x17880;
	s7 =	sshll.u32 s5, $0x4;
	[dreg:$0x19] =	wrdreg s21  }
0x16: {  	s17 =	ssub.s32 $0x2, s5;
	[dreg:$0x1a] =	wrdreg s22;
	s23 =	simm.s32 $0xB080  }
0x17: {  	s24 =	simm.s32 $0xB880;
	s25 =	simm.s32 $0xC080;
	s8 =	simm.s32 $0x80  }
0x18: {  	s26 =	simm.s32 $0xC880;
	s10 =	simm.s32 $0xD880;
	s11 =	simm.s32 $0xE080  }
0x19: {  	s12 =	simm.s32 $0xE880;
	s13 =	simm.s32 $0xF080;
	s14 =	simm.s32 $0xF880  }
0x1a: {  	s15 =	simm.s32 $0x10080;
	s16 =	simm.s32 $0x10880;
	s18 =	simm.s32 $0x11880  }
0x1b: {  	s19 =	simm.s32 $0x12080;
	s21 =	simm.s32 $0x13080;
	[dreg:$0x1b] =	wrdreg s23  }
0x1c: {  	s22 =	simm.s32 $0x13880;
	s6 =	sor.u32 s7, s6;
	[dreg:$0x1c] =	wrdreg s24  }
0x1d: {  	s7 =	simm.s32 $0x4080;
	s5 =	sshrl.u32 s17, $0x1;
	[dreg:$0x1d] =	wrdreg s25  }
0x1e: {  	[dreg:$0x1e] =	wrdreg s26;
	s23 =	simm.s32 $0x14080;
	s24 =	simm.s32 $0x14880  }
0x1f: {  	s25 =	simm.s32 $0x15080;
	s4 =	sadd.s32 s6, s4;
	s6 =	smul.u32 $0x300, s6  }
0x20: {  	s26 =	simm.s32 $0x15880;
	[dreg:$0xd] =	wrdreg s7;
	s4 =	sadd.s32 $0xA00, s4  }
0x21: {  	s20 =	ssub.s32 s17, s5;
	[dreg:$0x4] =	wrdreg s4;
	s1 =	sadd.s32 s1, s6  }
0x22: {  	s5 =	sadd.s32 $0x200, s2;
	s4 =	simm.s32 $0x3080;
	[dreg:$0x5] =	wrdreg s1  }
0x23: {  	v2 =	vlaneseq.u32;
	s7 =	simm.s32 $0x2;
	s6 =	simm.s32 $0x3880;
	[dreg:$0xb] =	wrdreg s4  }
0x24: {  	vm0 =	vmmov $0xffff;
	v1 =	vshrl.u32 v2, $0x3;
	s17 =	simm.s32 $0x11080;
	[dreg:$0xc] =	wrdreg s6;
	s4 =	sadd.s32 $0x100, s2  }
0x25: {  	v0 =	vand.u32 $0x7, v2;
	v2 =	vor.u32 $0x8, v2;
	v1 =	vmul.u32 $0x8, v1;
	s6 =	smax.u32 s20, $0x1;
	s20 =	simm.s32 $0x12880;
	s1 =	simm.s32 $0x1  }
.LBB2_1:
0x26: {  	s0 =	rddreg [dreg:$0x4]  }
0x27: {  	[tilespmem:s3], [sflag:$0x2] =	stream.linear.gather [hbm4b:s0+s3], $0x80, $0x38;
	[tilespmem:$0x18080] =	vst v63  }
0x28: {  	_ =	swait.ge [sflag:s7], $0x80  }
0x29: {  	[sflag:s7] =	ssyncset.done $0x0  }
0x2a: {  	s9 =	rddreg [dreg:$0x5];
	[sflag:s7] =	ssyncadd.s32 $0xFFFFFF80  }
0x2b: {  	[tilespmem:s8], [sflag:$0x2] =	stream.linear.gather [hbm4b:s9+s3], $0x18000, $0x38;
	[tilespmem:$0x18080] =	vst v63  }
0x2c: {  	_ =	swait.ge [sflag:s7], $0x18000  }
0x2d: {  	[sflag:s7] =	ssyncset.done $0x0  }
0x2e: {  	[sflag:s7] =	ssyncadd.s32 $0xFFFE8000  }
0x2f: {  	v3 =	vld [tilespmem:$0x0];
	_ =	sdelay $0x4  }
0x30: {  	v4 =	vshrl.u32 v3, $0x3  }
0x31: {  	v4 =	vmul.u32 $0x30, v4  }
0x32: {  	v3 =	vand.u32 $0x7, v3  }
0x33: {  	v3 =	vor.u32 v3, v4  }
0x34: {  	v4 =	vperm.xlane v3, v0;
	_ =	sdelay $0x1  }
0x35: {  	v4 =	vadd.s32 v1, v4;
	_ =	sdelay $0x3  }
0x36: {  	v3 =	vperm.xlane v3, v2  }
0x37: {  	[hbm4b:s2+s3] =	stream.indirect_vreg.scatter [tilespmem:s8], [sflag:$0x1], $0x80, v4, vm0, $0xb8;
	[tilespmem:$0x18080] =	vst v63  }
0x38: {  	s0 =	rddreg [dreg:$0x6];
	v3 =	vadd.s32 v1, v3  }
0x39: {  	[hbm4b:s4+s3] =	stream.indirect_vreg.scatter [tilespmem:s0], [sflag:$0x1], $0x80, v4, vm0, $0xb8;
	[tilespmem:$0x18080] =	vst v63  }
0x3a: {  	s9 =	rddreg [dreg:$0x7]  }
0x3b: {  	[hbm4b:s5+s3] =	stream.indirect_vreg.scatter [tilespmem:s9], [sflag:$0x1], $0x80, v4, vm0, $0xb8;
	[tilespmem:$0x18080] =	vst v63  }
0x3c: {  	s0 =	rddreg [dreg:$0x8]  }
0x3d: {  	[hbm4b:s2+s3] =	stream.indirect_vreg.scatter [tilespmem:s0], [sflag:$0x1], $0x80, v3, vm0, $0xb8;
	[tilespmem:$0x18080] =	vst v63  }
0x3e: {  	s9 =	rddreg [dreg:$0x9]  }
0x3f: {  	[hbm4b:s4+s3] =	stream.indirect_vreg.scatter [tilespmem:s9], [sflag:$0x1], $0x80, v3, vm0, $0xb8;
	[tilespmem:$0x18080] =	vst v63  }
0x40: {  	s0 =	rddreg [dreg:$0xa]  }
0x41: {  	[hbm4b:s5+s3] =	stream.indirect_vreg.scatter [tilespmem:s0], [sflag:$0x1], $0x80, v3, vm0, $0xb8;
	[tilespmem:$0x18080] =	vst v63  }
0x42: {  	v3 =	vld [tilespmem:$0x10];
	_ =	sdelay $0x4  }
0x43: {  	v57 =	vshrl.u32 v3, $0x3  }
0x44: {  	v4 =	vmul.u32 $0x30, v57  }
0x45: {  	v3 =	vand.u32 $0x7, v3  }
0x46: {  	v3 =	vor.u32 v3, v4  }
0x47: {  	v4 =	vperm.xlane v3, v0;
	_ =	sdelay $0x1  }
0x48: {  	v4 =	vadd.s32 v1, v4;
	_ =	sdelay $0x3  }
0x49: {  	s0 =	rddreg [dreg:$0xb];
	v3 =	vperm.xlane v3, v2  }
0x4a: {  	[hbm4b:s2+s3] =	stream.indirect_vreg.scatter [tilespmem:s0], [sflag:$0x1], $0x80, v4, vm0, $0xb8;
	[tilespmem:$0x18080] =	vst v63  }
0x4b: {  	s9 =	rddreg [dreg:$0xc];
	v3 =	vadd.s32 v1, v3  }
0x4c: {  	[hbm4b:s4+s3] =	stream.indirect_vreg.scatter [tilespmem:s9], [sflag:$0x1], $0x80, v4, vm0, $0xb8;
	[tilespmem:$0x18080] =	vst v63  }
0x4d: {  	s0 =	rddreg [dreg:$0xd]  }
0x4e: {  	[hbm4b:s5+s3] =	stream.indirect_vreg.scatter [tilespmem:s0], [sflag:$0x1], $0x80, v4, vm0, $0xb8;
	[tilespmem:$0x18080] =	vst v63  }
0x4f: {  	s9 =	rddreg [dreg:$0xe]  }
0x50: {  	[hbm4b:s2+s3] =	stream.indirect_vreg.scatter [tilespmem:s9], [sflag:$0x1], $0x80, v3, vm0, $0xb8;
	[tilespmem:$0x18080] =	vst v63  }
0x51: {  	s0 =	rddreg [dreg:$0xf]  }
0x52: {  	[hbm4b:s4+s3] =	stream.indirect_vreg.scatter [tilespmem:s0], [sflag:$0x1], $0x80, v3, vm0, $0xb8;
	[tilespmem:$0x18080] =	vst v63  }
0x53: {  	s9 =	rddreg [dreg:$0x10]  }
0x54: {  	[hbm4b:s5+s3] =	stream.indirect_vreg.scatter [tilespmem:s9], [sflag:$0x1], $0x80, v3, vm0, $0xb8;
	[tilespmem:$0x18080] =	vst v63  }
0x55: {  	v3 =	vld [tilespmem:$0x20];
	_ =	sdelay $0x4  }
0x56: {  	v58 =	vshrl.u32 v3, $0x3  }
0x57: {  	v4 =	vmul.u32 $0x30, v58  }
0x58: {  	v3 =	vand.u32 $0x7, v3  }
0x59: {  	v3 =	vor.u32 v3, v4  }
0x5a: {  	v4 =	vperm.xlane v3, v0;
	_ =	sdelay $0x1  }
0x5b: {  	v4 =	vadd.s32 v1, v4;
	_ =	sdelay $0x3  }
0x5c: {  	s0 =	rddreg [dreg:$0x11];
	v3 =	vperm.xlane v3, v2  }
0x5d: {  	[hbm4b:s2+s3] =	stream.indirect_vreg.scatter [tilespmem:s0], [sflag:$0x1], $0x80, v4, vm0, $0xb8;
	[tilespmem:$0x18080] =	vst v63  }
0x5e: {  	s9 =	rddreg [dreg:$0x12];
	v3 =	vadd.s32 v1, v3  }
0x5f: {  	[hbm4b:s4+s3] =	stream.indirect_vreg.scatter [tilespmem:s9], [sflag:$0x1], $0x80, v4, vm0, $0xb8;
	[tilespmem:$0x18080] =	vst v63  }
0x60: {  	s0 =	rddreg [dreg:$0x13]  }
0x61: {  	[hbm4b:s5+s3] =	stream.indirect_vreg.scatter [tilespmem:s0], [sflag:$0x1], $0x80, v4, vm0, $0xb8;
	[tilespmem:$0x18080] =	vst v63  }
0x62: {  	s9 =	rddreg [dreg:$0x14]  }
0x63: {  	[hbm4b:s2+s3] =	stream.indirect_vreg.scatter [tilespmem:s9], [sflag:$0x1], $0x80, v3, vm0, $0xb8;
	[tilespmem:$0x18080] =	vst v63  }
0x64: {  	s0 =	rddreg [dreg:$0x15]  }
0x65: {  	[hbm4b:s4+s3] =	stream.indirect_vreg.scatter [tilespmem:s0], [sflag:$0x1], $0x80, v3, vm0, $0xb8;
	[tilespmem:$0x18080] =	vst v63  }
0x66: {  	s9 =	rddreg [dreg:$0x16]  }
0x67: {  	[hbm4b:s5+s3] =	stream.indirect_vreg.scatter [tilespmem:s9], [sflag:$0x1], $0x80, v3, vm0, $0xb8;
	[tilespmem:$0x18080] =	vst v63  }
0x68: {  	v3 =	vld [tilespmem:$0x30];
	_ =	sdelay $0x4  }
0x69: {  	v59 =	vshrl.u32 v3, $0x3  }
0x6a: {  	v4 =	vmul.u32 $0x30, v59  }
0x6b: {  	v3 =	vand.u32 $0x7, v3  }
0x6c: {  	v3 =	vor.u32 v3, v4  }
0x6d: {  	v4 =	vperm.xlane v3, v0;
	_ =	sdelay $0x1  }
0x6e: {  	v4 =	vadd.s32 v1, v4;
	_ =	sdelay $0x3  }
0x6f: {  	s0 =	rddreg [dreg:$0x17];
	v3 =	vperm.xlane v3, v2  }
0x70: {  	[hbm4b:s2+s3] =	stream.indirect_vreg.scatter [tilespmem:s0], [sflag:$0x1], $0x80, v4, vm0, $0xb8;
	[tilespmem:$0x18080] =	vst v63  }
0x71: {  	s9 =	rddreg [dreg:$0x18];
	v3 =	vadd.s32 v1, v3  }
0x72: {  	[hbm4b:s4+s3] =	stream.indirect_vreg.scatter [tilespmem:s9], [sflag:$0x1], $0x80, v4, vm0, $0xb8;
	[tilespmem:$0x18080] =	vst v63  }
0x73: {  	s0 =	rddreg [dreg:$0x19]  }
0x74: {  	[hbm4b:s5+s3] =	stream.indirect_vreg.scatter [tilespmem:s0], [sflag:$0x1], $0x80, v4, vm0, $0xb8;
	[tilespmem:$0x18080] =	vst v63  }
0x75: {  	s9 =	rddreg [dreg:$0x1a]  }
0x76: {  	[hbm4b:s2+s3] =	stream.indirect_vreg.scatter [tilespmem:s9], [sflag:$0x1], $0x80, v3, vm0, $0xb8;
	[tilespmem:$0x18080] =	vst v63  }
0x77: {  	s0 =	rddreg [dreg:$0x1b]  }
0x78: {  	[hbm4b:s4+s3] =	stream.indirect_vreg.scatter [tilespmem:s0], [sflag:$0x1], $0x80, v3, vm0, $0xb8;
	[tilespmem:$0x18080] =	vst v63  }
0x79: {  	s9 =	rddreg [dreg:$0x1c]  }
0x7a: {  	[hbm4b:s5+s3] =	stream.indirect_vreg.scatter [tilespmem:s9], [sflag:$0x1], $0x80, v3, vm0, $0xb8;
	[tilespmem:$0x18080] =	vst v63  }
0x7b: {  	v3 =	vld [tilespmem:$0x40];
	_ =	sdelay $0x4  }
0x7c: {  	v60 =	vshrl.u32 v3, $0x3  }
0x7d: {  	v4 =	vmul.u32 $0x30, v60  }
0x7e: {  	v3 =	vand.u32 $0x7, v3  }
0x7f: {  	v3 =	vor.u32 v3, v4  }
0x80: {  	v4 =	vperm.xlane v3, v0;
	_ =	sdelay $0x1  }
0x81: {  	v4 =	vadd.s32 v1, v4;
	_ =	sdelay $0x3  }
0x82: {  	s0 =	rddreg [dreg:$0x1d];
	v3 =	vperm.xlane v3, v2  }
0x83: {  	[hbm4b:s2+s3] =	stream.indirect_vreg.scatter [tilespmem:s0], [sflag:$0x1], $0x80, v4, vm0, $0xb8;
	[tilespmem:$0x18080] =	vst v63  }
0x84: {  	s9 =	rddreg [dreg:$0x1e];
	v3 =	vadd.s32 v1, v3  }
0x85: {  	[hbm4b:s4+s3] =	stream.indirect_vreg.scatter [tilespmem:s9], [sflag:$0x1], $0x80, v4, vm0, $0xb8;
	[tilespmem:$0x18080] =	vst v63  }
0x86: {  	s9 =	simm.s32 $0xD080  }
0x87: {  	[hbm4b:s5+s3] =	stream.indirect_vreg.scatter [tilespmem:s9], [sflag:$0x1], $0x80, v4, vm0, $0xb8;
	[tilespmem:$0x18080] =	vst v63  }
0x88: {  	_ = 	snop  }
0x89: {  	[hbm4b:s2+s3] =	stream.indirect_vreg.scatter [tilespmem:s10], [sflag:$0x1], $0x80, v3, vm0, $0xb8;
	[tilespmem:$0x18080] =	vst v63  }
0x8a: {  	_ = 	snop  }
0x8b: {  	[hbm4b:s4+s3] =	stream.indirect_vreg.scatter [tilespmem:s11], [sflag:$0x1], $0x80, v3, vm0, $0xb8;
	[tilespmem:$0x18080] =	vst v63  }
0x8c: {  	_ = 	snop  }
0x8d: {  	[hbm4b:s5+s3] =	stream.indirect_vreg.scatter [tilespmem:s12], [sflag:$0x1], $0x80, v3, vm0, $0xb8;
	[tilespmem:$0x18080] =	vst v63  }
0x8e: {  	v3 =	vld [tilespmem:$0x50];
	_ =	sdelay $0x4  }
0x8f: {  	v61 =	vshrl.u32 v3, $0x3  }
0x90: {  	v4 =	vmul.u32 $0x30, v61  }
0x91: {  	v3 =	vand.u32 $0x7, v3  }
0x92: {  	v3 =	vor.u32 v3, v4  }
0x93: {  	v4 =	vperm.xlane v3, v0;
	_ =	sdelay $0x1  }
0x94: {  	v4 =	vadd.s32 v1, v4;
	_ =	sdelay $0x3  }
0x95: {  	v3 =	vperm.xlane v3, v2  }
0x96: {  	[hbm4b:s2+s3] =	stream.indirect_vreg.scatter [tilespmem:s13], [sflag:$0x1], $0x80, v4, vm0, $0xb8;
	[tilespmem:$0x18080] =	vst v63  }
0x97: {  	v3 =	vadd.s32 v1, v3  }
0x98: {  	[hbm4b:s4+s3] =	stream.indirect_vreg.scatter [tilespmem:s14], [sflag:$0x1], $0x80, v4, vm0, $0xb8;
	[tilespmem:$0x18080] =	vst v63  }
0x99: {  	_ = 	snop  }
0x9a: {  	[hbm4b:s5+s3] =	stream.indirect_vreg.scatter [tilespmem:s15], [sflag:$0x1], $0x80, v4, vm0, $0xb8;
	[tilespmem:$0x18080] =	vst v63  }
0x9b: {  	_ = 	snop  }
0x9c: {  	[hbm4b:s2+s3] =	stream.indirect_vreg.scatter [tilespmem:s16], [sflag:$0x1], $0x80, v3, vm0, $0xb8;
	[tilespmem:$0x18080] =	vst v63  }
0x9d: {  	_ = 	snop  }
0x9e: {  	[hbm4b:s4+s3] =	stream.indirect_vreg.scatter [tilespmem:s17], [sflag:$0x1], $0x80, v3, vm0, $0xb8;
	[tilespmem:$0x18080] =	vst v63  }
0x9f: {  	_ = 	snop  }
0xa0: {  	[hbm4b:s5+s3] =	stream.indirect_vreg.scatter [tilespmem:s18], [sflag:$0x1], $0x80, v3, vm0, $0xb8;
	[tilespmem:$0x18080] =	vst v63  }
0xa1: {  	v3 =	vld [tilespmem:$0x60];
	_ =	sdelay $0x4  }
0xa2: {  	v62 =	vshrl.u32 v3, $0x3  }
0xa3: {  	v4 =	vmul.u32 $0x30, v62  }
0xa4: {  	v3 =	vand.u32 $0x7, v3  }
0xa5: {  	v3 =	vor.u32 v3, v4  }
0xa6: {  	v4 =	vperm.xlane v3, v0;
	_ =	sdelay $0x1  }
0xa7: {  	v4 =	vadd.s32 v1, v4;
	_ =	sdelay $0x3  }
0xa8: {  	v3 =	vperm.xlane v3, v2  }
0xa9: {  	[hbm4b:s2+s3] =	stream.indirect_vreg.scatter [tilespmem:s19], [sflag:$0x1], $0x80, v4, vm0, $0xb8;
	[tilespmem:$0x18080] =	vst v63  }
0xaa: {  	v3 =	vadd.s32 v1, v3  }
0xab: {  	[hbm4b:s4+s3] =	stream.indirect_vreg.scatter [tilespmem:s20], [sflag:$0x1], $0x80, v4, vm0, $0xb8;
	[tilespmem:$0x18080] =	vst v63  }
0xac: {  	_ = 	snop  }
0xad: {  	[hbm4b:s5+s3] =	stream.indirect_vreg.scatter [tilespmem:s21], [sflag:$0x1], $0x80, v4, vm0, $0xb8;
	[tilespmem:$0x18080] =	vst v63  }
0xae: {  	_ = 	snop  }
0xaf: {  	[hbm4b:s2+s3] =	stream.indirect_vreg.scatter [tilespmem:s22], [sflag:$0x1], $0x80, v3, vm0, $0xb8;
	[tilespmem:$0x18080] =	vst v63  }
0xb0: {  	_ = 	snop  }
0xb1: {  	[hbm4b:s4+s3] =	stream.indirect_vreg.scatter [tilespmem:s23], [sflag:$0x1], $0x80, v3, vm0, $0xb8;
	[tilespmem:$0x18080] =	vst v63  }
0xb2: {  	_ = 	snop  }
0xb3: {  	[hbm4b:s5+s3] =	stream.indirect_vreg.scatter [tilespmem:s24], [sflag:$0x1], $0x80, v3, vm0, $0xb8;
	[tilespmem:$0x18080] =	vst v63  }
0xb4: {  	v3 =	vld [tilespmem:$0x70];
	_ =	sdelay $0x4  }
0xb5: {  	v63 =	vshrl.u32 v3, $0x3  }
0xb6: {  	v4 =	vmul.u32 $0x30, v63  }
0xb7: {  	v3 =	vand.u32 $0x7, v3  }
0xb8: {  	v3 =	vor.u32 v3, v4  }
0xb9: {  	v4 =	vperm.xlane v3, v0;
	_ =	sdelay $0x1  }
0xba: {  	v4 =	vadd.s32 v1, v4;
	_ =	sdelay $0x3  }
0xbb: {  	v3 =	vperm.xlane v3, v2  }
0xbc: {  	[hbm4b:s2+s3] =	stream.indirect_vreg.scatter [tilespmem:s25], [sflag:$0x1], $0x80, v4, vm0, $0xb8;
	[tilespmem:$0x18080] =	vst v63  }
0xbd: {  	v3 =	vadd.s32 v1, v3  }
0xbe: {  	[hbm4b:s4+s3] =	stream.indirect_vreg.scatter [tilespmem:s26], [sflag:$0x1], $0x80, v4, vm0, $0xb8;
	[tilespmem:$0x18080] =	vst v63  }
0xbf: {  	_ = 	snop  }
0xc0: {  	[hbm4b:s5+s3] =	stream.indirect_vreg.scatter [tilespmem:s28], [sflag:$0x1], $0x80, v4, vm0, $0xb8;
	[tilespmem:$0x18080] =	vst v63  }
0xc1: {  	_ = 	snop  }
0xc2: {  	[hbm4b:s2+s3] =	stream.indirect_vreg.scatter [tilespmem:s29], [sflag:$0x1], $0x80, v3, vm0, $0xb8;
	[tilespmem:$0x18080] =	vst v63  }
0xc3: {  	p0 =	sne.s32 s6, $0x1  }
0xc4: {  	[hbm4b:s4+s3] =	stream.indirect_vreg.scatter [tilespmem:s30], [sflag:$0x1], $0x80, v3, vm0, $0xb8;
	[tilespmem:$0x18080] =	vst v63  }
.Ltmp0:
0xc5: {  	_ = 	snop;
	(pc) =	sbr.rel @p0 .LBB2_1-.Ltmp0, $4  }
0xc6: {  	[hbm4b:s5+s3] =	stream.indirect_vreg.scatter [tilespmem:s31], [sflag:$0x1], $0x80, v3, vm0, $0xb8;
	[tilespmem:$0x18080] =	vst v63  }
0xc7: {  	_ =	swait.ge [sflag:s1], $0x18000  }
0xc8: {  	[sflag:s1] =	ssyncset.done $0x0  }
0xc9: {  	s6 =	sadd.s32 $0xFFFFFFFF, s6;
	[sflag:s1] =	ssyncadd.s32 $0xFFFE8000  }
0xca: {  	_ =	sfence.sel $0x180000  }
0xcb: {  	[bflag:$0x0] =	sbarrier.arrive $0xFFFF  }
0xcc: {  	_ =	strace $0x90000047  }
0xcd: {  	s0 =	stileid.u32;
	[bflag:$0x2] =	sbarrier.arrive $0xFFFF  }
0xce: {  	p0 =	sne.s32 s0, $0x0;
	s0 =	rddreg [dreg:$0x3]  }
0xcf: {  	s0 =	sadd.s32 @!p0 $0x100000, s0  }
0xd0: {  	[sflag:s0] =	ssyncadd.tile.s32 @!p0 $0x1;
	_ =	shalt  }
.Lfunc_end2:
_tile_overlayer_lowered:
.L_overlay_start_2:
0xd1: {  	(tag) =	ssettag $0x2  }
0xd2: {  	s0 =	rddreg [dreg:$0x0];
	s2 =	stileid.u32  }
0xd3: {  	s1 =	rddreg [dreg:$0x1];
	p0 =	sne.s32 s2, $0x0  }
0xd4: {  	s3 =	rddreg [dreg:$0x2];
	[bflag:$0x3] =	sbarrier.arrive $0xFFFF;
	s2 =	simm.s32 @!p0 $0x1C02  }
0xd5: {  	[timem:s3], [sflag:s2] =	dma.local @!p0 [hbm:s0], s1  }
0xd6: {  	s0 =	simm.s32 @!p0 $0x2  }
0xd7: {  	_ =	swait.ge @!p0 [sflag:s0], s1  }
0xd8: {  	s1 =	ssub.s32 @!p0 $0x0, s1;
	[sflag:s0] =	ssyncset.done @!p0 $0x0  }
0xd9: {  	[sflag:s0] =	ssyncadd.s32 @!p0 s1  }
0xda: {  	[bflag:$0x3] =	sbarrier.arrive $0xFFFF  }
0xdb: {  	_ =	shalt  }

// kernel: kernel.9.cloned.1.call-start
scs
__scs_entry_jumppad:
0x0: {  	(pc) =	sbr.rel $0x88, $3  }
0x1: {  	(tag) =	ssettag $0x0;
	lr =	simm.s32 $0x1  }
0x2: {  	[smem:$0x3F9D] =	sst lr;
	_ =	strace $0xD0000000  }
0x3: {  	_ = 	snop  }
0x4: {  	_ = 	snop  }
0x5: {  	_ = 	snop  }
0x6: {  	_ = 	snop  }
0x7: {  	_ = 	snop  }
__scs_overlays_trampoline_lowered:
0x8: {  	[smem:$0x3FAC] =	sst s0  }
0x9: {  	[smem:$0x3FAD] =	sst s1  }
0xa: {  	[smem:$0x3FAE] =	sst s2  }
0xb: {  	[smem:$0x3FAF] =	sst s3  }
0xc: {  	[smem:$0x3FB0] =	sst s4  }
0xd: {  	[smem:$0x3FB1] =	sst s5  }
0xe: {  	[smem:$0x3FB2] =	sst s6  }
0xf: {  	[smem:$0x3FB3] =	sst s7  }
0x10: {  	[smem:$0x3FB4] =	sst s8  }
0x11: {  	[smem:$0x3FB5] =	sst s9;
	s0 =	simm.s32 @!p0 $0x0  }
0x12: {  	s1 =	sld [smem:$0x3F9B];
	s0 =	simm.s32 @p0 $0x1  }
0x13: {  	[smem:$0x3FB6] =	sst s0;
	s0 =	simm.s32 @!p1 $0x0  }
0x14: {  	s2 =	sld [smem:$0x3F9A];
	s0 =	simm.s32 @p1 $0x1  }
0x15: {  	[smem:$0x3FB7] =	sst s0;
	s0 =	simm.s32 @!p2 $0x0  }
0x16: {  	s3 =	sld [smem:$0x3FDB];
	s0 =	simm.s32 @p2 $0x1  }
0x17: {  	s4 =	simm.s32 $0x1BF5;
	[smem:$0x3FB9] =	sst s0  }
0x18: {  	s0 =	sld [smem:$0x3F9C];
	_ =	swait.ge [sflag:s4], $0x0  }
0x19: {  	s7 =	sld [smem:$0x3F9D]  }
0x1a: {  	s8 =	sadd.s32 $0xFFFFE003, lr  }
0x1b: {  	s9 =	sadd.s32 $0xFFFFFEF7, lr;
	s5 =	simm.s32 $0xFFFFFFFF;
	p2 =	slt.u32 s8, $0xFFFFF086  }
0x1c: {  	p1 =	slt.u32 s9, $0xF7A;
	s5 =	simm.s32 @!p2 $0x0  }
0x1d: {  	s5 =	simm.s32 @p1 $0x1;
	p0 =	seq.s32 s7, s2  }
0x1e: {  	s7 =	smul.u32 @!p0 $0xF7A, s2;
	p2 =	seq.s32 @!p0 s5, $0x0  }
0x1f: {  	s9 =	smul.u32 $0xF7A, s1;
	s8 =	simm.s32 @!p0 $0x1BF5;
	p2 =	por !p2, p0  }
0x20: {  	[sflag:s8] =	ssyncset.s32 @!p0 $0xFFFFF086;
	s6 =	sadd.s32 @!p0 s3, s7;
	s7 =	simm.s32 @!p0 $0x108  }
0x21: {  	s3 =	sadd.s32 s3, s9;
	s6 =	sadd.s32 @!p0 $0x88, s6;
	s7 =	simm.s32 @p2 $0x1082  }
0x22: {  	[simem:s7], [sflag:s8] =	dma.local @!p0 [hbm:s6], $0xF7A  }
0x23: {  	s9 =	sor.u32 $0xD0000000, s2;
	s6 =	simm.s32 $0x108;
	_ =	swait.ge @!p0 [sflag:s8], $0x0  }
0x24: {  	s3 =	sadd.s32 $0x88, s3;
	s6 =	simm.s32 @!p1 $0x1082;
	[sflag:s4] =	ssyncset.s32 $0xFFFFF086  }
0x25: {  	[simem:s6], [sflag:s4] =	dma.local [hbm:s3], $0xF7A  }
0x26: {  	[smem:$0x3F9D] =	sst s1;
	(tag) =	ssettag s2;
	_ =	strace s9  }
0x27: {  	s1 =	sld [smem:$0x3FAD]  }
0x28: {  	s2 =	sld [smem:$0x3FAE]  }
0x29: {  	s4 =	sld [smem:$0x3FB0]  }
0x2a: {  	p0 =	seq.s32 s5, $0x0;
	s5 =	sld [smem:$0x3FB1]  }
0x2b: {  	s6 =	sld [smem:$0x3FB2]  }
0x2c: {  	s7 =	sld [smem:$0x3FB3]  }
0x2d: {  	s3 =	simm.s32 $0x108;
	s8 =	sld [smem:$0x3FB4]  }
0x2e: {  	s3 =	simm.s32 @!p0 $0x1082;
	s9 =	sld [smem:$0x3FB5]  }
0x2f: {  	lr =	sadd.s32 s0, s3;
	s0 =	sld [smem:$0x3FAC]  }
0x30: {  	s3 =	sld [smem:$0x3FAF]  }
0x31: {  	[smem:$0x3FB8] =	sst s10  }
0x32: {  	s10 =	sld [smem:$0x3FB6];
	_ =	sdelay $0x3  }
0x33: {  	p0 =	seq.s32 s10, $0x1;
	s10 =	sld [smem:$0x3FB8];
	_ =	sdelay $0x3  }
0x34: {  	[smem:$0x3FB8] =	sst s10  }
0x35: {  	s10 =	sld [smem:$0x3FB7];
	_ =	sdelay $0x3  }
0x36: {  	p1 =	seq.s32 s10, $0x1;
	s10 =	sld [smem:$0x3FB8];
	_ =	sdelay $0x3  }
0x37: {  	[smem:$0x3FB8] =	sst s10  }
0x38: {  	s10 =	sld [smem:$0x3FB9]  }
0x39: {  	_ = 	snop;
	(pc) =	sbr.ind lr, $3  }
0x3a: {  	_ = 	snop  }
0x3b: {  	_ = 	snop  }
0x3c: {  	p2 =	seq.s32 s10, $0x1;
	s10 =	sld [smem:$0x3FB8]  }
0x3d: {  	_ =	shalt  }
0x3e: {  	_ =	shalt  }
0x3f: {  	_ =	shalt  }
0x40: {  	_ =	shalt  }
0x41: {  	_ =	shalt  }
0x42: {  	_ =	shalt  }
0x43: {  	_ =	shalt  }
0x44: {  	_ =	shalt  }
0x45: {  	_ =	shalt  }
0x46: {  	_ =	shalt  }
0x47: {  	_ =	shalt  }
0x48: {  	_ =	shalt  }
0x49: {  	_ =	shalt  }
0x4a: {  	_ =	shalt  }
0x4b: {  	_ =	shalt  }
0x4c: {  	_ =	shalt  }
0x4d: {  	_ =	shalt  }
0x4e: {  	_ =	shalt  }
0x4f: {  	_ =	shalt  }
0x50: {  	_ =	shalt  }
0x51: {  	_ =	shalt  }
0x52: {  	_ =	shalt  }
0x53: {  	_ =	shalt  }
0x54: {  	_ =	shalt  }
0x55: {  	_ =	shalt  }
0x56: {  	_ =	shalt  }
0x57: {  	_ =	shalt  }
0x58: {  	_ =	shalt  }
0x59: {  	_ =	shalt  }
0x5a: {  	_ =	shalt  }
0x5b: {  	_ =	shalt  }
0x5c: {  	_ =	shalt  }
0x5d: {  	_ =	shalt  }
0x5e: {  	_ =	shalt  }
0x5f: {  	_ =	shalt  }
0x60: {  	_ =	shalt  }
0x61: {  	_ =	shalt  }
0x62: {  	_ =	shalt  }
0x63: {  	_ =	shalt  }
0x64: {  	_ =	shalt  }
0x65: {  	_ =	shalt  }
0x66: {  	_ =	shalt  }
0x67: {  	_ =	shalt  }
0x68: {  	_ =	shalt  }
0x69: {  	_ =	shalt  }
0x6a: {  	_ =	shalt  }
0x6b: {  	_ =	shalt  }
0x6c: {  	_ =	shalt  }
0x6d: {  	_ =	shalt  }
0x6e: {  	_ =	shalt  }
0x6f: {  	_ =	shalt  }
0x70: {  	_ =	shalt  }
0x71: {  	_ =	shalt  }
0x72: {  	_ =	shalt  }
0x73: {  	_ =	shalt  }
0x74: {  	_ =	shalt  }
0x75: {  	_ =	shalt  }
0x76: {  	_ =	shalt  }
0x77: {  	_ =	shalt  }
0x78: {  	_ =	shalt  }
0x79: {  	_ =	shalt  }
0x7a: {  	_ =	shalt  }
0x7b: {  	_ =	shalt  }
0x7c: {  	_ =	shalt  }
0x7d: {  	_ =	shalt  }
0x7e: {  	_ =	shalt  }
0x7f: {  	_ =	shalt  }
0x80: {  	_ =	shalt  }
0x81: {  	_ =	shalt  }
0x82: {  	_ =	shalt  }
0x83: {  	_ =	shalt  }
0x84: {  	_ =	shalt  }
0x85: {  	_ =	shalt  }
0x86: {  	_ =	shalt  }
0x87: {  	_ =	shalt  }
.Lfunc_end0:
.L_simem_size_0:
called_computation.1_lowered:
.L_overlay_start_0:
0x88: {  	s2 =	sld [smem:$0x3FD9]  }
0x89: {  	s3 =	sld [smem:$0x3FFE];
	_ =	sdelay $0x1  }
0x8a: {  	s1 =	srdreg.scid  }
0x8b: {  	s0 =	sand.u32 $0x1, s1  }
0x8c: {  	s17 =	sshll.u32 s0, $0xA;
	s2 =	sadd.s32 s3, s2  }
0x8d: {  	s2 =	sadd.s32 s2, s17  }
0x8e: {  	[smem:$0x3FC4] =	sst s2  }
0x8f: {  	_ = 	snop  }
0x90: {  	s2 =	sld [smem:$0x3FD0];
	(tm) =	ssettm $0x1  }
0x91: {  	s18 =	sld [smem:$0x3FFB];
	_ =	sdelay $0x3  }
0x92: {  	_ =	strace s18  }
0x93: {  	s3 =	sld [smem:$0x3FFC];
	_ =	sdelay $0x3  }
0x94: {  	_ =	strace s3  }
0x95: {  	s3 =	sld [smem:$0x3FFD];
	_ =	sdelay $0x3  }
0x96: {  	_ =	strace s3  }
0x97: {  	_ =	strace $0x8FFFFFFF  }
0x98: {  	s19 =	sld [smem:$0x3FDB];
	_ =	sdelay $0x1  }
0x99: {  	s4 =	simm.s32 $_scs_section_size  }
0x9a: {  	s5 =	simm.s32 $_size__tile_overlayer_lowered;
	s6 =	simm.s32 $_tile_overlayer_lowered  }
0x9b: {  	s22 =	simm.s32 $0x1BFF;
	s21 =	sshll.u32 s6, $0x1;
	s3 =	sadd.s32 s4, s19  }
0x9c: {  	s7 =	simm.s32 $0x0;
	s20 =	sshll.u32 s5, $0x1;
	s5 =	sadd.s32 s21, s3  }
0x9d: {  	[timem:s7], [sflag:s22] =	dma.local [hbm:s5], s20  }
0x9e: {  	_ =	swait.ge [sflag:s22], s20  }
0x9f: {  	s4 =	ssub.s32 $0x0, s20;
	[sflag:s22] =	ssyncset.done $0x0  }
0xa0: {  	[sflag:s22] =	ssyncadd.s32 s4;
	_ =	sdelay $0x1  }
0xa1: {  	s23 =	simm.s32 $0x1B8B  }
0xa2: {  	_ =	swait.ge [sflag:s23], $0x1  }
0xa3: {  	[sflag:s23] =	ssyncset.done $0x0  }
0xa4: {  	s25 =	simm.s32 $0x1B8E;
	s24 =	sld [smem:$0x3FFE];
	[sflag:s23] =	ssyncadd.s32 $0xFFFFFFFF  }
0xa5: {  	s26 =	simm.s32 $execute0_lowered;
	[smem:$0x3FD2] =	sst s25  }
0xa6: {  	s5 =	sshll.u32 s26, $0x1;
	_ =	strace $0x80000049;
	[dreg:$0x1] =	wrdreg $0xFFFFFFFF  }
0xa7: {  	s28 =	simm.s32 $_size_execute0_lowered;
	s3 =	sadd.s32 s3, s5;
	[dreg:$0x0] =	wrdreg $0x0  }
0xa8: {  	s5 =	sshll.u32 s28, $0x1;
	[dreg:$0x2] =	wrdreg s3  }
0xa9: {  	[dreg:$0x3] =	wrdreg s5  }
0xaa: {  	[dreg:$0x4] =	wrdreg $0xC0  }
0xab: {  	_ =	task [dreg:s7], $0x5FFFF  }
0xac: {  	[dreg:$0x1] =	wrdreg $0xFFFFFFFF  }
0xad: {  	[dreg:$0x0] =	wrdreg $0x60  }
0xae: {  	[dreg:$0x2] =	wrdreg s24  }
0xaf: {  	[dreg:$0x3] =	wrdreg s2  }
0xb0: {  	[dreg:$0x4] =	wrdreg $0x9  }
0xb1: {  	_ =	task.clear_ibuf [dreg:s7], $0x5FFFF;
	_ =	strace $0x90000049  }
0xb2: {  	s29 =	simm.s32 $0x9;
	_ =	strace $0x8000004B  }
0xb3: {  	_ =	swait.ge [sflag:s29], $0x1  }
0xb4: {  	[sflag:s29] =	ssyncadd.s32 $0xFFFFFFFF  }
0xb5: {  	_ =	strace $0x9000004B  }
0xb6: {  	_ =	sfence  }
0xb7: {  	s30 =	sld [smem:$0x0];
	_ =	sdelay $0x2  }
0xb8: {  	s31 =	sshll.u32 s1, $0xD;
	s1 =	sshrl.u32 s1, $0x2  }
0xb9: {  	s3 =	sand.u32 $0x4000, s31;
	s1 =	sadd.s32 s1, s30  }
0xba: {  	s0 =	sor.u32 s3, s0;
	s1 =	sshll.u32 s1, $0x11  }
0xbb: {  	s0 =	sor.u32 s1, s0  }
0xbc: {  	s0 =	sadd.s32 $0x8F2B, s0  }
0xbd: {  	[sflag:s0] =	ssyncadd.remote.s32 $0x1  }
0xbe: {  	_ =	sfence.sel $0xFFFF  }
0xbf: {  	[dreg:$0x0] =	wrdreg $0xFFFFFFFF;
	(pc) =	sbr.abs _section_cstart, $3  }
0xc0: {  	[dreg:$0x1] =	wrdreg $0xFFFFFFFF  }
0xc1: {  	_ =	task.clear_ibuf [dreg:s7], $0x2FFFF;
	_ =	strace $0x9FFFFFFF  }
0xc2: {  	(tm) =	ssettm $0x7FFFFFFF  }
0xc3: {  	_ =	shalt  }
tec
execute0_lowered:
.L_overlay_start_1:
0x0: {  	(tag) =	ssettag $0x1  }
0x1: {  	s2 =	srdreg.scid;
	s1 =	rddreg [dreg:$0x0]  }
0x2: {  	s3 =	rddreg [dreg:$0x1];
	s4 =	sand.u32 $0x1, s2;
	s2 =	simm.s32 $0x0  }
0x3: {  	s0 =	stileid.u32;
	s25 =	simm.s32 $0x880;
	[smem:$0x7FF] =	sst s2  }
0x4: {  	s26 =	simm.s32 $0x1080;
	_ =	strace $0x8000004A;
	[dreg:$0x5] =	wrdreg s25  }
0x5: {  	s5 =	sshll.u32 s0, $0x5;
	s0 =	simm.s32 $0x1880;
	[dreg:$0x6] =	wrdreg s26  }
0x6: {  	s7 =	simm.s32 $0x3080;
	[dreg:$0x7] =	wrdreg s0  }
0x7: {  	s8 =	simm.s32 $0x3880;
	[dreg:$0xa] =	wrdreg s7  }
0x8: {  	s9 =	simm.s32 $0x4080;
	[dreg:$0xb] =	wrdreg s8  }
0x9: {  	s10 =	simm.s32 $0x4880;
	[dreg:$0xc] =	wrdreg s9  }
0xa: {  	s11 =	simm.s32 $0x5080;
	[dreg:$0xd] =	wrdreg s10  }
0xb: {  	s12 =	simm.s32 $0x5880;
	[dreg:$0xe] =	wrdreg s11  }
0xc: {  	s13 =	simm.s32 $0x6080;
	[dreg:$0xf] =	wrdreg s12  }
0xd: {  	s14 =	simm.s32 $0x6880;
	[dreg:$0x10] =	wrdreg s13  }
0xe: {  	s15 =	simm.s32 $0x7080;
	[dreg:$0x11] =	wrdreg s14  }
0xf: {  	s16 =	simm.s32 $0x7880;
	s17 =	simm.s32 $0x8080;
	[dreg:$0x12] =	wrdreg s15  }
0x10: {  	s18 =	simm.s32 $0x8880;
	s19 =	simm.s32 $0x9080;
	[dreg:$0x13] =	wrdreg s16  }
0x11: {  	s21 =	simm.s32 $0x9880;
	s22 =	simm.s32 $0xA080;
	[dreg:$0x14] =	wrdreg s17  }
0x12: {  	s23 =	simm.s32 $0xB080;
	s24 =	simm.s32 $0xB880;
	[dreg:$0x15] =	wrdreg s18  }
0x13: {  	s28 =	simm.s32 $0x16080;
	s29 =	simm.s32 $0x16880;
	[dreg:$0x16] =	wrdreg s19  }
0x14: {  	s30 =	simm.s32 $0x17080;
	s31 =	simm.s32 $0x17880;
	[dreg:$0x17] =	wrdreg s21  }
0x15: {  	s6 =	sshll.u32 s4, $0x4;
	s4 =	ssub.s32 $0x2, s4;
	[dreg:$0x18] =	wrdreg s22  }
0x16: {  	s5 =	sor.u32 s6, s5;
	s20 =	sshrl.u32 s4, $0x1;
	[dreg:$0x1a] =	wrdreg s23  }
0x17: {  	s7 =	simm.s32 $0xA880;
	[dreg:$0x1b] =	wrdreg s24;
	s25 =	simm.s32 $0xC080  }
0x18: {  	s8 =	simm.s32 $0x80;
	s26 =	simm.s32 $0xC880;
	s10 =	simm.s32 $0xD880  }
0x19: {  	s11 =	simm.s32 $0xE080;
	s12 =	simm.s32 $0xE880;
	s13 =	simm.s32 $0xF080  }
0x1a: {  	s14 =	simm.s32 $0xF880;
	s15 =	simm.s32 $0x10080;
	s16 =	simm.s32 $0x10880  }
0x1b: {  	s17 =	simm.s32 $0x11080;
	s18 =	simm.s32 $0x11880;
	s19 =	simm.s32 $0x12080  }
0x1c: {  	s21 =	simm.s32 $0x13080;
	s22 =	simm.s32 $0x13880;
	[dreg:$0x19] =	wrdreg s7  }
0x1d: {  	s6 =	sadd.s32 s5, s1;
	s5 =	smul.u32 $0x300, s5;
	[dreg:$0x1c] =	wrdreg s25  }
0x1e: {  	s23 =	simm.s32 $0x14080;
	[dreg:$0x1d] =	wrdreg s26;
	s6 =	sadd.s32 $0xA00, s6  }
0x1f: {  	s24 =	simm.s32 $0x14880;
	[dreg:$0x3] =	wrdreg s6;
	s3 =	sadd.s32 s3, s5  }
0x20: {  	s7 =	simm.s32 $0x2;
	s5 =	simm.s32 $0x2080;
	[dreg:$0x4] =	wrdreg s3  }
0x21: {  	s25 =	simm.s32 $0x15080;
	s6 =	simm.s32 $0x2880;
	[dreg:$0x8] =	wrdreg s5  }
0x22: {  	v2 =	vlaneseq.u32;
	s26 =	simm.s32 $0x15880;
	[dreg:$0x9] =	wrdreg s6;
	s3 =	sadd.s32 $0xC00, s1  }
0x23: {  	vm0 =	vmmov $0xffff;
	v1 =	vshrl.u32 v2, $0x3;
	s6 =	ssub.s32 s4, s20;
	s4 =	sadd.s32 $0xD00, s1;
	s5 =	sadd.s32 $0xE00, s1  }
0x24: {  	v0 =	vand.u32 $0x7, v2;
	v2 =	vor.u32 $0x8, v2;
	v1 =	vmul.u32 $0x8, v1;
	s20 =	simm.s32 $0x12880;
	s1 =	simm.s32 $0x1;
	s6 =	smax.u32 s6, $0x1  }
.LBB2_1:
0x25: {  	s0 =	rddreg [dreg:$0x3]  }
0x26: {  	[tilespmem:s2], [sflag:$0x2] =	stream.linear.gather [hbm4b:s0+s2], $0x80, $0x38;
	[tilespmem:$0x18080] =	vst v63  }
0x27: {  	_ =	swait.ge [sflag:s7], $0x80  }
0x28: {  	[sflag:s7] =	ssyncset.done $0x0  }
0x29: {  	[sflag:s7] =	ssyncadd.s32 $0xFFFFFF80  }
0x2a: {  	v3 =	vld [tilespmem:$0x0];
	_ =	sdelay $0x4  }
0x2b: {  	v4 =	vshrl.u32 v3, $0x3  }
0x2c: {  	v4 =	vmul.u32 $0x30, v4  }
0x2d: {  	v3 =	vand.u32 $0x7, v3  }
0x2e: {  	v3 =	vor.u32 v3, v4  }
0x2f: {  	v4 =	vperm.xlane v3, v0;
	_ =	sdelay $0x1  }
0x30: {  	v4 =	vadd.s32 v1, v4;
	_ =	sdelay $0x3  }
0x31: {  	v3 =	vperm.xlane v3, v2  }
0x32: {  	[tilespmem:s8], [sflag:$0x1] =	stream.indirect_vreg.gather [hbm4b:s3+s2], $0x80, v4, vm0, $0xb8;
	[tilespmem:$0x18080] =	vst v63  }
0x33: {  	s0 =	rddreg [dreg:$0x5];
	v3 =	vadd.s32 v1, v3  }
0x34: {  	[tilespmem:s0], [sflag:$0x1] =	stream.indirect_vreg.gather [hbm4b:s4+s2], $0x80, v4, vm0, $0xb8;
	[tilespmem:$0x18080] =	vst v63  }
0x35: {  	s9 =	rddreg [dreg:$0x6]  }
0x36: {  	[tilespmem:s9], [sflag:$0x1] =	stream.indirect_vreg.gather [hbm4b:s5+s2], $0x80, v4, vm0, $0xb8;
	[tilespmem:$0x18080] =	vst v63  }
0x37: {  	s0 =	rddreg [dreg:$0x7]  }
0x38: {  	[tilespmem:s0], [sflag:$0x1] =	stream.indirect_vreg.gather [hbm4b:s3+s2], $0x80, v3, vm0, $0xb8;
	[tilespmem:$0x18080] =	vst v63  }
0x39: {  	s9 =	rddreg [dreg:$0x8]  }
0x3a: {  	[tilespmem:s9], [sflag:$0x1] =	stream.indirect_vreg.gather [hbm4b:s4+s2], $0x80, v3, vm0, $0xb8;
	[tilespmem:$0x18080] =	vst v63  }
0x3b: {  	s0 =	rddreg [dreg:$0x9]  }
0x3c: {  	[tilespmem:s0], [sflag:$0x1] =	stream.indirect_vreg.gather [hbm4b:s5+s2], $0x80, v3, vm0, $0xb8;
	[tilespmem:$0x18080] =	vst v63  }
0x3d: {  	v3 =	vld [tilespmem:$0x10];
	_ =	sdelay $0x4  }
0x3e: {  	v57 =	vshrl.u32 v3, $0x3  }
0x3f: {  	v4 =	vmul.u32 $0x30, v57  }
0x40: {  	v3 =	vand.u32 $0x7, v3  }
0x41: {  	v3 =	vor.u32 v3, v4  }
0x42: {  	v4 =	vperm.xlane v3, v0;
	_ =	sdelay $0x1  }
0x43: {  	v4 =	vadd.s32 v1, v4;
	_ =	sdelay $0x3  }
0x44: {  	s0 =	rddreg [dreg:$0xa];
	v3 =	vperm.xlane v3, v2  }
0x45: {  	[tilespmem:s0], [sflag:$0x1] =	stream.indirect_vreg.gather [hbm4b:s3+s2], $0x80, v4, vm0, $0xb8;
	[tilespmem:$0x18080] =	vst v63  }
0x46: {  	s9 =	rddreg [dreg:$0xb];
	v3 =	vadd.s32 v1, v3  }
0x47: {  	[tilespmem:s9], [sflag:$0x1] =	stream.indirect_vreg.gather [hbm4b:s4+s2], $0x80, v4, vm0, $0xb8;
	[tilespmem:$0x18080] =	vst v63  }
0x48: {  	s0 =	rddreg [dreg:$0xc]  }
0x49: {  	[tilespmem:s0], [sflag:$0x1] =	stream.indirect_vreg.gather [hbm4b:s5+s2], $0x80, v4, vm0, $0xb8;
	[tilespmem:$0x18080] =	vst v63  }
0x4a: {  	s9 =	rddreg [dreg:$0xd]  }
0x4b: {  	[tilespmem:s9], [sflag:$0x1] =	stream.indirect_vreg.gather [hbm4b:s3+s2], $0x80, v3, vm0, $0xb8;
	[tilespmem:$0x18080] =	vst v63  }
0x4c: {  	s0 =	rddreg [dreg:$0xe]  }
0x4d: {  	[tilespmem:s0], [sflag:$0x1] =	stream.indirect_vreg.gather [hbm4b:s4+s2], $0x80, v3, vm0, $0xb8;
	[tilespmem:$0x18080] =	vst v63  }
0x4e: {  	s9 =	rddreg [dreg:$0xf]  }
0x4f: {  	[tilespmem:s9], [sflag:$0x1] =	stream.indirect_vreg.gather [hbm4b:s5+s2], $0x80, v3, vm0, $0xb8;
	[tilespmem:$0x18080] =	vst v63  }
0x50: {  	v3 =	vld [tilespmem:$0x20];
	_ =	sdelay $0x4  }
0x51: {  	v58 =	vshrl.u32 v3, $0x3  }
0x52: {  	v4 =	vmul.u32 $0x30, v58  }
0x53: {  	v3 =	vand.u32 $0x7, v3  }
0x54: {  	v3 =	vor.u32 v3, v4  }
0x55: {  	v4 =	vperm.xlane v3, v0;
	_ =	sdelay $0x1  }
0x56: {  	v4 =	vadd.s32 v1, v4;
	_ =	sdelay $0x3  }
0x57: {  	s0 =	rddreg [dreg:$0x10];
	v3 =	vperm.xlane v3, v2  }
0x58: {  	[tilespmem:s0], [sflag:$0x1] =	stream.indirect_vreg.gather [hbm4b:s3+s2], $0x80, v4, vm0, $0xb8;
	[tilespmem:$0x18080] =	vst v63  }
0x59: {  	s9 =	rddreg [dreg:$0x11];
	v3 =	vadd.s32 v1, v3  }
0x5a: {  	[tilespmem:s9], [sflag:$0x1] =	stream.indirect_vreg.gather [hbm4b:s4+s2], $0x80, v4, vm0, $0xb8;
	[tilespmem:$0x18080] =	vst v63  }
0x5b: {  	s0 =	rddreg [dreg:$0x12]  }
0x5c: {  	[tilespmem:s0], [sflag:$0x1] =	stream.indirect_vreg.gather [hbm4b:s5+s2], $0x80, v4, vm0, $0xb8;
	[tilespmem:$0x18080] =	vst v63  }
0x5d: {  	s9 =	rddreg [dreg:$0x13]  }
0x5e: {  	[tilespmem:s9], [sflag:$0x1] =	stream.indirect_vreg.gather [hbm4b:s3+s2], $0x80, v3, vm0, $0xb8;
	[tilespmem:$0x18080] =	vst v63  }
0x5f: {  	s0 =	rddreg [dreg:$0x14]  }
0x60: {  	[tilespmem:s0], [sflag:$0x1] =	stream.indirect_vreg.gather [hbm4b:s4+s2], $0x80, v3, vm0, $0xb8;
	[tilespmem:$0x18080] =	vst v63  }
0x61: {  	s9 =	rddreg [dreg:$0x15]  }
0x62: {  	[tilespmem:s9], [sflag:$0x1] =	stream.indirect_vreg.gather [hbm4b:s5+s2], $0x80, v3, vm0, $0xb8;
	[tilespmem:$0x18080] =	vst v63  }
0x63: {  	v3 =	vld [tilespmem:$0x30];
	_ =	sdelay $0x4  }
0x64: {  	v59 =	vshrl.u32 v3, $0x3  }
0x65: {  	v4 =	vmul.u32 $0x30, v59  }
0x66: {  	v3 =	vand.u32 $0x7, v3  }
0x67: {  	v3 =	vor.u32 v3, v4  }
0x68: {  	v4 =	vperm.xlane v3, v0;
	_ =	sdelay $0x1  }
0x69: {  	v4 =	vadd.s32 v1, v4;
	_ =	sdelay $0x3  }
0x6a: {  	s0 =	rddreg [dreg:$0x16];
	v3 =	vperm.xlane v3, v2  }
0x6b: {  	[tilespmem:s0], [sflag:$0x1] =	stream.indirect_vreg.gather [hbm4b:s3+s2], $0x80, v4, vm0, $0xb8;
	[tilespmem:$0x18080] =	vst v63  }
0x6c: {  	s9 =	rddreg [dreg:$0x17];
	v3 =	vadd.s32 v1, v3  }
0x6d: {  	[tilespmem:s9], [sflag:$0x1] =	stream.indirect_vreg.gather [hbm4b:s4+s2], $0x80, v4, vm0, $0xb8;
	[tilespmem:$0x18080] =	vst v63  }
0x6e: {  	s0 =	rddreg [dreg:$0x18]  }
0x6f: {  	[tilespmem:s0], [sflag:$0x1] =	stream.indirect_vreg.gather [hbm4b:s5+s2], $0x80, v4, vm0, $0xb8;
	[tilespmem:$0x18080] =	vst v63  }
0x70: {  	s9 =	rddreg [dreg:$0x19]  }
0x71: {  	[tilespmem:s9], [sflag:$0x1] =	stream.indirect_vreg.gather [hbm4b:s3+s2], $0x80, v3, vm0, $0xb8;
	[tilespmem:$0x18080] =	vst v63  }
0x72: {  	s0 =	rddreg [dreg:$0x1a]  }
0x73: {  	[tilespmem:s0], [sflag:$0x1] =	stream.indirect_vreg.gather [hbm4b:s4+s2], $0x80, v3, vm0, $0xb8;
	[tilespmem:$0x18080] =	vst v63  }
0x74: {  	s9 =	rddreg [dreg:$0x1b]  }
0x75: {  	[tilespmem:s9], [sflag:$0x1] =	stream.indirect_vreg.gather [hbm4b:s5+s2], $0x80, v3, vm0, $0xb8;
	[tilespmem:$0x18080] =	vst v63  }
0x76: {  	v3 =	vld [tilespmem:$0x40];
	_ =	sdelay $0x4  }
0x77: {  	v60 =	vshrl.u32 v3, $0x3  }
0x78: {  	v4 =	vmul.u32 $0x30, v60  }
0x79: {  	v3 =	vand.u32 $0x7, v3  }
0x7a: {  	v3 =	vor.u32 v3, v4  }
0x7b: {  	v4 =	vperm.xlane v3, v0;
	_ =	sdelay $0x1  }
0x7c: {  	v4 =	vadd.s32 v1, v4;
	_ =	sdelay $0x3  }
0x7d: {  	s0 =	rddreg [dreg:$0x1c];
	v3 =	vperm.xlane v3, v2  }
0x7e: {  	[tilespmem:s0], [sflag:$0x1] =	stream.indirect_vreg.gather [hbm4b:s3+s2], $0x80, v4, vm0, $0xb8;
	[tilespmem:$0x18080] =	vst v63  }
0x7f: {  	s9 =	rddreg [dreg:$0x1d];
	v3 =	vadd.s32 v1, v3  }
0x80: {  	[tilespmem:s9], [sflag:$0x1] =	stream.indirect_vreg.gather [hbm4b:s4+s2], $0x80, v4, vm0, $0xb8;
	[tilespmem:$0x18080] =	vst v63  }
0x81: {  	s9 =	simm.s32 $0xD080  }
0x82: {  	[tilespmem:s9], [sflag:$0x1] =	stream.indirect_vreg.gather [hbm4b:s5+s2], $0x80, v4, vm0, $0xb8;
	[tilespmem:$0x18080] =	vst v63  }
0x83: {  	_ = 	snop  }
0x84: {  	[tilespmem:s10], [sflag:$0x1] =	stream.indirect_vreg.gather [hbm4b:s3+s2], $0x80, v3, vm0, $0xb8;
	[tilespmem:$0x18080] =	vst v63  }
0x85: {  	_ = 	snop  }
0x86: {  	[tilespmem:s11], [sflag:$0x1] =	stream.indirect_vreg.gather [hbm4b:s4+s2], $0x80, v3, vm0, $0xb8;
	[tilespmem:$0x18080] =	vst v63  }
0x87: {  	_ = 	snop  }
0x88: {  	[tilespmem:s12], [sflag:$0x1] =	stream.indirect_vreg.gather [hbm4b:s5+s2], $0x80, v3, vm0, $0xb8;
	[tilespmem:$0x18080] =	vst v63  }
0x89: {  	v3 =	vld [tilespmem:$0x50];
	_ =	sdelay $0x4  }
0x8a: {  	v61 =	vshrl.u32 v3, $0x3  }
0x8b: {  	v4 =	vmul.u32 $0x30, v61  }
0x8c: {  	v3 =	vand.u32 $0x7, v3  }
0x8d: {  	v3 =	vor.u32 v3, v4  }
0x8e: {  	v4 =	vperm.xlane v3, v0;
	_ =	sdelay $0x1  }
0x8f: {  	v4 =	vadd.s32 v1, v4;
	_ =	sdelay $0x3  }
0x90: {  	v3 =	vperm.xlane v3, v2  }
0x91: {  	[tilespmem:s13], [sflag:$0x1] =	stream.indirect_vreg.gather [hbm4b:s3+s2], $0x80, v4, vm0, $0xb8;
	[tilespmem:$0x18080] =	vst v63  }
0x92: {  	v3 =	vadd.s32 v1, v3  }
0x93: {  	[tilespmem:s14], [sflag:$0x1] =	stream.indirect_vreg.gather [hbm4b:s4+s2], $0x80, v4, vm0, $0xb8;
	[tilespmem:$0x18080] =	vst v63  }
0x94: {  	_ = 	snop  }
0x95: {  	[tilespmem:s15], [sflag:$0x1] =	stream.indirect_vreg.gather [hbm4b:s5+s2], $0x80, v4, vm0, $0xb8;
	[tilespmem:$0x18080] =	vst v63  }
0x96: {  	_ = 	snop  }
0x97: {  	[tilespmem:s16], [sflag:$0x1] =	stream.indirect_vreg.gather [hbm4b:s3+s2], $0x80, v3, vm0, $0xb8;
	[tilespmem:$0x18080] =	vst v63  }
0x98: {  	_ = 	snop  }
0x99: {  	[tilespmem:s17], [sflag:$0x1] =	stream.indirect_vreg.gather [hbm4b:s4+s2], $0x80, v3, vm0, $0xb8;
	[tilespmem:$0x18080] =	vst v63  }
0x9a: {  	_ = 	snop  }
0x9b: {  	[tilespmem:s18], [sflag:$0x1] =	stream.indirect_vreg.gather [hbm4b:s5+s2], $0x80, v3, vm0, $0xb8;
	[tilespmem:$0x18080] =	vst v63  }
0x9c: {  	v3 =	vld [tilespmem:$0x60];
	_ =	sdelay $0x4  }
0x9d: {  	v62 =	vshrl.u32 v3, $0x3  }
0x9e: {  	v4 =	vmul.u32 $0x30, v62  }
0x9f: {  	v3 =	vand.u32 $0x7, v3  }
0xa0: {  	v3 =	vor.u32 v3, v4  }
0xa1: {  	v4 =	vperm.xlane v3, v0;
	_ =	sdelay $0x1  }
0xa2: {  	v4 =	vadd.s32 v1, v4;
	_ =	sdelay $0x3  }
0xa3: {  	v3 =	vperm.xlane v3, v2  }
0xa4: {  	[tilespmem:s19], [sflag:$0x1] =	stream.indirect_vreg.gather [hbm4b:s3+s2], $0x80, v4, vm0, $0xb8;
	[tilespmem:$0x18080] =	vst v63  }
0xa5: {  	v3 =	vadd.s32 v1, v3  }
0xa6: {  	[tilespmem:s20], [sflag:$0x1] =	stream.indirect_vreg.gather [hbm4b:s4+s2], $0x80, v4, vm0, $0xb8;
	[tilespmem:$0x18080] =	vst v63  }
0xa7: {  	_ = 	snop  }
0xa8: {  	[tilespmem:s21], [sflag:$0x1] =	stream.indirect_vreg.gather [hbm4b:s5+s2], $0x80, v4, vm0, $0xb8;
	[tilespmem:$0x18080] =	vst v63  }
0xa9: {  	_ = 	snop  }
0xaa: {  	[tilespmem:s22], [sflag:$0x1] =	stream.indirect_vreg.gather [hbm4b:s3+s2], $0x80, v3, vm0, $0xb8;
	[tilespmem:$0x18080] =	vst v63  }
0xab: {  	_ = 	snop  }
0xac: {  	[tilespmem:s23], [sflag:$0x1] =	stream.indirect_vreg.gather [hbm4b:s4+s2], $0x80, v3, vm0, $0xb8;
	[tilespmem:$0x18080] =	vst v63  }
0xad: {  	_ = 	snop  }
0xae: {  	[tilespmem:s24], [sflag:$0x1] =	stream.indirect_vreg.gather [hbm4b:s5+s2], $0x80, v3, vm0, $0xb8;
	[tilespmem:$0x18080] =	vst v63  }
0xaf: {  	v3 =	vld [tilespmem:$0x70];
	_ =	sdelay $0x4  }
0xb0: {  	v63 =	vshrl.u32 v3, $0x3  }
0xb1: {  	v4 =	vmul.u32 $0x30, v63  }
0xb2: {  	v3 =	vand.u32 $0x7, v3  }
0xb3: {  	v3 =	vor.u32 v3, v4  }
0xb4: {  	v4 =	vperm.xlane v3, v0;
	_ =	sdelay $0x1  }
0xb5: {  	v4 =	vadd.s32 v1, v4;
	_ =	sdelay $0x3  }
0xb6: {  	v3 =	vperm.xlane v3, v2  }
0xb7: {  	[tilespmem:s25], [sflag:$0x1] =	stream.indirect_vreg.gather [hbm4b:s3+s2], $0x80, v4, vm0, $0xb8;
	[tilespmem:$0x18080] =	vst v63  }
0xb8: {  	v3 =	vadd.s32 v1, v3  }
0xb9: {  	[tilespmem:s26], [sflag:$0x1] =	stream.indirect_vreg.gather [hbm4b:s4+s2], $0x80, v4, vm0, $0xb8;
	[tilespmem:$0x18080] =	vst v63  }
0xba: {  	_ = 	snop  }
0xbb: {  	[tilespmem:s28], [sflag:$0x1] =	stream.indirect_vreg.gather [hbm4b:s5+s2], $0x80, v4, vm0, $0xb8;
	[tilespmem:$0x18080] =	vst v63  }
0xbc: {  	_ = 	snop  }
0xbd: {  	[tilespmem:s29], [sflag:$0x1] =	stream.indirect_vreg.gather [hbm4b:s3+s2], $0x80, v3, vm0, $0xb8;
	[tilespmem:$0x18080] =	vst v63  }
0xbe: {  	_ = 	snop  }
0xbf: {  	[tilespmem:s30], [sflag:$0x1] =	stream.indirect_vreg.gather [hbm4b:s4+s2], $0x80, v3, vm0, $0xb8;
	[tilespmem:$0x18080] =	vst v63  }
0xc0: {  	_ = 	snop  }
0xc1: {  	[tilespmem:s31], [sflag:$0x1] =	stream.indirect_vreg.gather [hbm4b:s5+s2], $0x80, v3, vm0, $0xb8;
	[tilespmem:$0x18080] =	vst v63  }
0xc2: {  	_ =	swait.ge [sflag:s1], $0x18000  }
0xc3: {  	p0 =	sne.s32 s6, $0x1;
	[sflag:s1] =	ssyncset.done $0x0  }
.Ltmp0:
0xc4: {  	s9 =	rddreg [dreg:$0x4];
	[sflag:s1] =	ssyncadd.s32 $0xFFFE8000;
	(pc) =	sbr.rel @p0 .LBB2_1-.Ltmp0, $4  }
0xc5: {  	[hbm4b:s9+s2] =	stream.linear.scatter [tilespmem:s8], [sflag:$0x2], $0x18000, $0x38;
	[tilespmem:$0x18080] =	vst v63  }
0xc6: {  	_ =	swait.ge [sflag:s7], $0x18000  }
0xc7: {  	[sflag:s7] =	ssyncset.done $0x0  }
0xc8: {  	s6 =	sadd.s32 $0xFFFFFFFF, s6;
	[sflag:s7] =	ssyncadd.s32 $0xFFFE8000  }
0xc9: {  	_ =	sfence.sel $0x180000  }
0xca: {  	[bflag:$0x0] =	sbarrier.arrive $0xFFFF  }
0xcb: {  	_ =	strace $0x9000004A  }
0xcc: {  	s0 =	stileid.u32;
	[bflag:$0x2] =	sbarrier.arrive $0xFFFF  }
0xcd: {  	p0 =	sne.s32 s0, $0x0;
	s0 =	rddreg [dreg:$0x2]  }
0xce: {  	s0 =	sadd.s32 @!p0 $0x100000, s0  }
0xcf: {  	[sflag:s0] =	ssyncadd.tile.s32 @!p0 $0x1;
	_ =	shalt  }
.Lfunc_end2:
_tile_overlayer_lowered:
.L_overlay_start_2:
0xd0: {  	(tag) =	ssettag $0x2  }
0xd1: {  	s0 =	rddreg [dreg:$0x0];
	s2 =	stileid.u32  }
0xd2: {  	s1 =	rddreg [dreg:$0x1];
	p0 =	sne.s32 s2, $0x0  }
0xd3: {  	s3 =	rddreg [dreg:$0x2];
	[bflag:$0x3] =	sbarrier.arrive $0xFFFF;
	s2 =	simm.s32 @!p0 $0x1C02  }
0xd4: {  	[timem:s3], [sflag:s2] =	dma.local @!p0 [hbm:s0], s1  }
0xd5: {  	s0 =	simm.s32 @!p0 $0x2  }
0xd6: {  	_ =	swait.ge @!p0 [sflag:s0], s1  }
0xd7: {  	s1 =	ssub.s32 @!p0 $0x0, s1;
	[sflag:s0] =	ssyncset.done @!p0 $0x0  }
0xd8: {  	[sflag:s0] =	ssyncadd.s32 @!p0 s1  }
0xd9: {  	[bflag:$0x3] =	sbarrier.arrive $0xFFFF  }
0xda: {  	_ =	shalt  }

</sc_bundles>
